<compile_context>
chip_gen: v7x
topology: tpu7x:2x2x1
jax: 0.10.2.dev20260603
libtpu: 0.0.44.dev20260713+nightly
codegen_flags: <defaults>
</compile_context>

<pallas_src>
import functools

import jax
import jax.numpy as jnp
from jax import lax
from jax.experimental import pallas as pl
from jax.experimental.pallas import tpu as pltpu
from jax.experimental.pallas import tpu_sc as plsc

N = 10000
D = 128
H = 128
C = 40

NC = 2
NS = 16
NW = NC * NS

N_PAD = 10240
ROWS_PER_TILE = N_PAD // NS
CHUNK = 128
CHUNKS_PER_TILE = 80
E_TILE = CHUNK * CHUNKS_PER_TILE
E_PAD = NW * E_TILE
NIDX = 4
SPLIT = 2
QROW = CHUNK // SPLIT


def _mm_kernel(x_ref, w_ref, b_ref, o_ref, *, relu):
    y = jnp.dot(x_ref[...], w_ref[...],
                preferred_element_type=jnp.float32) + b_ref[...]
    if relu:
        y = jnp.maximum(y, 0.0)
    o_ref[...] = y


def _mm(x, w, b, relu, block_rows=640):
    n, k = x.shape
    m = w.shape[1]
    return pl.pallas_call(
        functools.partial(_mm_kernel, relu=relu),
        grid=(n // block_rows,),
        in_specs=[pl.BlockSpec((block_rows, k), lambda i: (i, 0)),
                  pl.BlockSpec((k, m), lambda i: (0, 0)),
                  pl.BlockSpec((1, m), lambda i: (0, 0))],
        out_specs=pl.BlockSpec((block_rows, m), lambda i: (i, 0)),
        out_shape=jax.ShapeDtypeStruct((n, m), jnp.float32),
    )(x, w, b.reshape(1, m))


def _comb_mm_kernel(x_ref, w_ref, b_ref, o_ref, *, relu):
    x = x_ref[0] + x_ref[1]
    y = jnp.dot(x, w_ref[...], preferred_element_type=jnp.float32) + b_ref[...]
    if relu:
        y = jnp.maximum(y, 0.0)
    o_ref[...] = y


def _comb_mm(x2, w, b, relu, block_rows=640):
    _, n, k = x2.shape
    m = w.shape[1]
    return pl.pallas_call(
        functools.partial(_comb_mm_kernel, relu=relu),
        grid=(n // block_rows,),
        in_specs=[pl.BlockSpec((2, block_rows, k), lambda i: (0, i, 0)),
                  pl.BlockSpec((k, m), lambda i: (0, 0)),
                  pl.BlockSpec((1, m), lambda i: (0, 0))],
        out_specs=pl.BlockSpec((block_rows, m), lambda i: (i, 0)),
        out_shape=jax.ShapeDtypeStruct((n, m), jnp.float32),
    )(x2, w, b.reshape(1, m))


def _spmm_body(h_hbm, idx_hbm, zeros_hbm, out_hbm,
               idx0, idx1, idx2, idx3, rows0, rows1,
               acc, semi0, semi1, semi2, semi3, semr0, semr1):
    c = lax.axis_index("c")
    s = lax.axis_index("s")
    wid = c * NS + s
    idxs = (idx0, idx1, idx2, idx3)
    semi = (semi0, semi1, semi2, semi3)
    rows = (rows0, rows1)
    semr = (semr0, semr1)

    row0 = s * ROWS_PER_TILE
    pltpu.sync_copy(zeros_hbm, acc.at[pl.ds(row0, ROWS_PER_TILE)])
    plsc.subcore_barrier()

    def start_idx(slot, chunk):
        pltpu.make_async_copy(idx_hbm.at[wid * CHUNKS_PER_TILE + chunk],
                              idxs[slot], semi[slot]).start()

    def wait_idx(slot, chunk):
        pltpu.make_async_copy(idx_hbm.at[wid * CHUNKS_PER_TILE + chunk],
                              idxs[slot], semi[slot]).wait()

    def start_gather(slot, rb):
        for q in range(SPLIT):
            pltpu.make_async_copy(h_hbm.at[idxs[slot].at[q]],
                                  rows[rb].at[pl.ds(q * QROW, QROW)],
                                  semr[rb]).start()

    def wait_gather(slot, rb):
        for q in range(SPLIT):
            pltpu.make_async_copy(h_hbm.at[idxs[slot].at[q]],
                                  rows[rb].at[pl.ds(q * QROW, QROW)],
                                  semr[rb]).wait()

    for k in range(NIDX - 1):
        start_idx(k, k)
    wait_idx(0, 0)
    start_gather(0, 0)

    def quad_body(g, carry):
        for b in range(NIDX):
            chunk = g * NIDX + b
            islot = b
            rb = b % 2
            wait_gather(islot, rb)
            for q in range(SPLIT):
                pltpu.sync_copy(rows[rb].at[pl.ds(q * QROW, QROW)],
                                acc.at[idxs[islot].at[SPLIT + q]], add=True)

            @pl.when(chunk + 3 < CHUNKS_PER_TILE)
            def _():
                start_idx((b + 3) % NIDX, chunk + 3)

            @pl.when(chunk + 1 < CHUNKS_PER_TILE)
            def _():
                wait_idx((b + 1) % NIDX, chunk + 1)
                start_gather((b + 1) % NIDX, (b + 1) % 2)
        return carry

    lax.fori_loop(0, CHUNKS_PER_TILE // NIDX, quad_body, 0)

    plsc.subcore_barrier()
    pltpu.sync_copy(acc.at[pl.ds(row0, ROWS_PER_TILE)],
                    out_hbm.at[c, pl.ds(row0, ROWS_PER_TILE)])


_spmm = functools.partial(
    pl.kernel,
    mesh=plsc.VectorSubcoreMesh(core_axis_name="c", subcore_axis_name="s"),
    out_type=jax.ShapeDtypeStruct((NC, N_PAD, H), jnp.float32),
    scratch_types=[
        pltpu.VMEM((2 * SPLIT, QROW), jnp.int32),
        pltpu.VMEM((2 * SPLIT, QROW), jnp.int32),
        pltpu.VMEM((2 * SPLIT, QROW), jnp.int32),
        pltpu.VMEM((2 * SPLIT, QROW), jnp.int32),
        pltpu.VMEM((CHUNK, H), jnp.float32),
        pltpu.VMEM((CHUNK, H), jnp.float32),
        pltpu.VMEM_SHARED((N_PAD, H), jnp.float32),
        pltpu.SemaphoreType.DMA,
        pltpu.SemaphoreType.DMA,
        pltpu.SemaphoreType.DMA,
        pltpu.SemaphoreType.DMA,
        pltpu.SemaphoreType.DMA,
        pltpu.SemaphoreType.DMA,
    ],
)(_spmm_body)


def kernel(node_features, edge_index, W1, b1, W2, b2, Wfc, bfc):
    e = edge_index.shape[1]
    src = edge_index[0]
    dst = edge_index[1]
    pad_e = E_PAD - e
    src_p = jnp.concatenate(
        [src, jnp.zeros((pad_e,), jnp.int32)]).reshape(
            NW * CHUNKS_PER_TILE, SPLIT, QROW)
    dst_p = jnp.concatenate(
        [dst, jnp.full((pad_e,), N, jnp.int32)]).reshape(
            NW * CHUNKS_PER_TILE, SPLIT, QROW)
    idx_p = jnp.concatenate([src_p, dst_p], axis=1)
    zeros = jnp.zeros((ROWS_PER_TILE, H), jnp.float32)
    nf_pad = jnp.pad(node_features, ((0, N_PAD - N), (0, 0)))

    h1 = _mm(nf_pad, W1, b1, relu=True)
    s1 = _spmm(h1, idx_p, zeros)
    h2 = _comb_mm(s1, W2, b2, relu=True)
    s2 = _spmm(h2, idx_p, zeros)
    out = _comb_mm(s2, Wfc, bfc, relu=False)
    return out[:N]

# --- scband reference (transcript-rebuilt; emitter-appended) ---
"""Pipeline reference for scband-comm-aware-gcn-8358006358160 (READ-ONLY COPY).

The authoritative reference and input builder live on the scoring server;
editing this copy changes nothing except your own understanding.
"""

import jax, jax.numpy as jnp
import numpy as np

N = 10000
E = 320000
D = 128
H = 128
C = 40


def setup_inputs(seed: int = 0) -> dict:
    key = jax.random.key(seed)
    ks = jax.random.split(key, 8)
    node_features = jax.random.normal(ks[0], (N, D), dtype=jnp.float32)
    edge_index = jax.random.randint(ks[1], (2, E), 0, N, dtype=jnp.int32)
    W1 = jax.random.normal(ks[2], (D, H), dtype=jnp.float32) * 0.05
    b1 = jnp.zeros((H,), dtype=jnp.float32)
    W2 = jax.random.normal(ks[3], (H, H), dtype=jnp.float32) * 0.05
    b2 = jnp.zeros((H,), dtype=jnp.float32)
    Wfc = jax.random.normal(ks[4], (H, C), dtype=jnp.float32) * 0.05
    bfc = jnp.zeros((C,), dtype=jnp.float32)
    return {"node_features": node_features, "edge_index": edge_index,
            "W1": W1, "b1": b1, "W2": W2, "b2": b2, "Wfc": Wfc, "bfc": bfc}


def reference(node_features, edge_index, W1, b1, W2, b2, Wfc, bfc):
    src = edge_index[0]
    dst = edge_index[1]
    # Gather_1: comm.gather -> gather node features to edges by src index
    x = jnp.take(node_features, src, axis=0)
    # Conv_1: Linear + ReLU on gathered edge features
    x = jnp.maximum(x @ W1 + b1, 0.0)
    # Scatter_1: comm.scatter -> scatter-add edge features back to dst nodes
    x = jax.ops.segment_sum(x, dst, num_segments=N)
    # Gather_2
    x = jnp.take(x, src, axis=0)
    # Conv_2
    x = jnp.maximum(x @ W2 + b2, 0.0)
    # Scatter_2
    x = jax.ops.segment_sum(x, dst, num_segments=N)
    # Final_FC
    out = x @ Wfc + bfc
    return out

if __name__ == "__main__":
    import jax
    _d = setup_inputs()
    print(jax.jit(kernel)(*tuple(_d.values())))

</pallas_src>

<mosaic_0001>
#map = affine_map<(d0, d1) -> (0, 0)>
#map1 = affine_map<(d0, d1) -> (0, 0, 0)>
module attributes {stable_mosaic.version = 14 : i64} {
  func.func @_spmm_body(%arg0: i32, %arg1: i32, %arg2: memref<10240x128xf32, #tpu.memory_space<hbm>>, %arg3: memref<2560x4x64xi32, #tpu.memory_space<hbm>>, %arg4: memref<640x128xf32, #tpu.memory_space<hbm>>, %arg5: memref<2x10240x128xf32, #tpu.memory_space<hbm>>, %arg6: memref<4x64xi32, #tpu.memory_space<vmem>>, %arg7: memref<4x64xi32, #tpu.memory_space<vmem>>, %arg8: memref<4x64xi32, #tpu.memory_space<vmem>>, %arg9: memref<4x64xi32, #tpu.memory_space<vmem>>, %arg10: memref<128x128xf32, #tpu.memory_space<vmem>>, %arg11: memref<128x128xf32, #tpu.memory_space<vmem>>, %arg12: memref<10240x128xf32, #tpu.memory_space<vmem_shared>>, %arg13: memref<!tpu.dma_semaphore, #tpu.memory_space<semaphore_mem>>, %arg14: memref<!tpu.dma_semaphore, #tpu.memory_space<semaphore_mem>>, %arg15: memref<!tpu.dma_semaphore, #tpu.memory_space<semaphore_mem>>, %arg16: memref<!tpu.dma_semaphore, #tpu.memory_space<semaphore_mem>>, %arg17: memref<!tpu.dma_semaphore, #tpu.memory_space<semaphore_mem>>, %arg18: memref<!tpu.dma_semaphore, #tpu.memory_space<semaphore_mem>>) attributes {dimension_semantics = [#tpu.dimension_semantics<core_parallel>, #tpu.dimension_semantics<subcore_parallel>], iteration_bounds = array<i64: 2, 16>, scalar_prefetch = 0 : i64, scratch_operands = 13 : i64, tpu.core_type = #tpu.core_type<sc_vector_subcore>, window_params = [{transform_indices = #map}, {transform_indices = #map1}, {transform_indices = #map}, {transform_indices = #map1}]} {
    %mul3A = arith.constant 16 : i32
    %mul3A_0 = arith.muli %arg0, %mul3A : i32
    %add3A = arith.addi %mul3A_0, %arg1 : i32
    %mul3A_1 = arith.constant 640 : i32
    %mul3A_2 = arith.muli %arg1, %mul3A_1 : i32
    "tpu.region"() ({
      %run_scoped3A = tpu.sem_alloc : memref<!tpu.dma_semaphore, #tpu.memory_space<semaphore_mem>>
      %dma_start3A_75 = arith.constant 0 : i32
      %dma_start3A_76 = tpu.memref_slice %arg12[%mul3A_2, %dma_start3A_75] : memref<10240x128xf32, #tpu.memory_space<vmem_shared>> -> memref<640x128xf32, #tpu.memory_space<vmem_shared>>
      tpu.enqueue_dma source(%arg4 : memref<640x128xf32, #tpu.memory_space<hbm>>) target(%dma_start3A_76 : memref<640x128xf32, #tpu.memory_space<vmem_shared>>) target_semaphore(%run_scoped3A : memref<!tpu.dma_semaphore, #tpu.memory_space<semaphore_mem>>)
      %dma_wait3A_77 = arith.constant 0 : i32
      %dma_wait3A_78 = tpu.memref_slice %arg12[%mul3A_2, %dma_wait3A_77] : memref<10240x128xf32, #tpu.memory_space<vmem_shared>> -> memref<640x128xf32, #tpu.memory_space<vmem_shared>>
      tpu.wait_dma2 semaphore(%run_scoped3A : memref<!tpu.dma_semaphore, #tpu.memory_space<semaphore_mem>>) src(%arg4 : memref<640x128xf32, #tpu.memory_space<hbm>>) dst(%dma_wait3A_78 : memref<640x128xf32, #tpu.memory_space<vmem_shared>>)
      tpu.yield
    }) : () -> ()
    %barrier3A = arith.constant 0 : index
    tpu.barrier barrier_id(%barrier3A)
    %mul3A_3 = arith.constant 80 : i32
    %mul3A_4 = arith.muli %add3A, %mul3A_3 : i32
    %add3A_5 = arith.constant 0 : i32
    %add3A_6 = arith.addi %mul3A_4, %add3A_5 : i32
    %dma_start3A = arith.constant 0 : i32
    %dma_start3A_7 = arith.constant 0 : i32
    %dma_start3A_8 = tpu.memref_slice %arg3[%add3A_6, %dma_start3A, %dma_start3A_7] : memref<2560x4x64xi32, #tpu.memory_space<hbm>> -> memref<1x4x64xi32, #tpu.memory_space<hbm>>
    %dma_start3A_9 = tpu.memref_squeeze %dma_start3A_8 : memref<1x4x64xi32, #tpu.memory_space<hbm>> -> memref<4x64xi32, #tpu.memory_space<hbm>>
    %dma_start3A_10 = arith.constant 0 : i32
    %dma_start3A_11 = arith.constant 0 : i32
    %dma_start3A_12 = tpu.memref_slice %arg3[%add3A_6, %dma_start3A_10, %dma_start3A_11] : memref<2560x4x64xi32, #tpu.memory_space<hbm>> -> memref<1x4x64xi32, #tpu.memory_space<hbm>>
    %dma_start3A_13 = tpu.memref_squeeze %dma_start3A_12 : memref<1x4x64xi32, #tpu.memory_space<hbm>> -> memref<4x64xi32, #tpu.memory_space<hbm>>
    tpu.enqueue_dma source(%dma_start3A_13 : memref<4x64xi32, #tpu.memory_space<hbm>>) target(%arg6 : memref<4x64xi32, #tpu.memory_space<vmem>>) target_semaphore(%arg13 : memref<!tpu.dma_semaphore, #tpu.memory_space<semaphore_mem>>)
    %mul3A_14 = arith.constant 80 : i32
    %mul3A_15 = arith.muli %add3A, %mul3A_14 : i32
    %add3A_16 = arith.constant 1 : i32
    %add3A_17 = arith.addi %mul3A_15, %add3A_16 : i32
    %dma_start3A_18 = arith.constant 0 : i32
    %dma_start3A_19 = arith.constant 0 : i32
    %dma_start3A_20 = tpu.memref_slice %arg3[%add3A_17, %dma_start3A_18, %dma_start3A_19] : memref<2560x4x64xi32, #tpu.memory_space<hbm>> -> memref<1x4x64xi32, #tpu.memory_space<hbm>>
    %dma_start3A_21 = tpu.memref_squeeze %dma_start3A_20 : memref<1x4x64xi32, #tpu.memory_space<hbm>> -> memref<4x64xi32, #tpu.memory_space<hbm>>
    %dma_start3A_22 = arith.constant 0 : i32
    %dma_start3A_23 = arith.constant 0 : i32
    %dma_start3A_24 = tpu.memref_slice %arg3[%add3A_17, %dma_start3A_22, %dma_start3A_23] : memref<2560x4x64xi32, #tpu.memory_space<hbm>> -> memref<1x4x64xi32, #tpu.memory_space<hbm>>
    %dma_start3A_25 = tpu.memref_squeeze %dma_start3A_24 : memref<1x4x64xi32, #tpu.memory_space<hbm>> -> memref<4x64xi32, #tpu.memory_space<hbm>>
    tpu.enqueue_dma source(%dma_start3A_25 : memref<4x64xi32, #tpu.memory_space<hbm>>) target(%arg7 : memref<4x64xi32, #tpu.memory_space<vmem>>) target_semaphore(%arg14 : memref<!tpu.dma_semaphore, #tpu.memory_space<semaphore_mem>>)
    %mul3A_26 = arith.constant 80 : i32
    %mul3A_27 = arith.muli %add3A, %mul3A_26 : i32
    %add3A_28 = arith.constant 2 : i32
    %add3A_29 = arith.addi %mul3A_27, %add3A_28 : i32
    %dma_start3A_30 = arith.constant 0 : i32
    %dma_start3A_31 = arith.constant 0 : i32
    %dma_start3A_32 = tpu.memref_slice %arg3[%add3A_29, %dma_start3A_30, %dma_start3A_31] : memref<2560x4x64xi32, #tpu.memory_space<hbm>> -> memref<1x4x64xi32, #tpu.memory_space<hbm>>
    %dma_start3A_33 = tpu.memref_squeeze %dma_start3A_32 : memref<1x4x64xi32, #tpu.memory_space<hbm>> -> memref<4x64xi32, #tpu.memory_space<hbm>>
    %dma_start3A_34 = arith.constant 0 : i32
    %dma_start3A_35 = arith.constant 0 : i32
    %dma_start3A_36 = tpu.memref_slice %arg3[%add3A_29, %dma_start3A_34, %dma_start3A_35] : memref<2560x4x64xi32, #tpu.memory_space<hbm>> -> memref<1x4x64xi32, #tpu.memory_space<hbm>>
    %dma_start3A_37 = tpu.memref_squeeze %dma_start3A_36 : memref<1x4x64xi32, #tpu.memory_space<hbm>> -> memref<4x64xi32, #tpu.memory_space<hbm>>
    tpu.enqueue_dma source(%dma_start3A_37 : memref<4x64xi32, #tpu.memory_space<hbm>>) target(%arg8 : memref<4x64xi32, #tpu.memory_space<vmem>>) target_semaphore(%arg15 : memref<!tpu.dma_semaphore, #tpu.memory_space<semaphore_mem>>)
    %mul3A_38 = arith.constant 80 : i32
    %mul3A_39 = arith.muli %add3A, %mul3A_38 : i32
    %add3A_40 = arith.constant 0 : i32
    %add3A_41 = arith.addi %mul3A_39, %add3A_40 : i32
    %dma_wait3A = arith.constant 0 : i32
    %dma_wait3A_42 = arith.constant 0 : i32
    %dma_wait3A_43 = tpu.memref_slice %arg3[%add3A_41, %dma_wait3A, %dma_wait3A_42] : memref<2560x4x64xi32, #tpu.memory_space<hbm>> -> memref<1x4x64xi32, #tpu.memory_space<hbm>>
    %dma_wait3A_44 = tpu.memref_squeeze %dma_wait3A_43 : memref<1x4x64xi32, #tpu.memory_space<hbm>> -> memref<4x64xi32, #tpu.memory_space<hbm>>
    %dma_wait3A_45 = arith.constant 0 : i32
    %dma_wait3A_46 = arith.constant 0 : i32
    %dma_wait3A_47 = tpu.memref_slice %arg3[%add3A_41, %dma_wait3A_45, %dma_wait3A_46] : memref<2560x4x64xi32, #tpu.memory_space<hbm>> -> memref<1x4x64xi32, #tpu.memory_space<hbm>>
    %dma_wait3A_48 = tpu.memref_squeeze %dma_wait3A_47 : memref<1x4x64xi32, #tpu.memory_space<hbm>> -> memref<4x64xi32, #tpu.memory_space<hbm>>
    tpu.wait_dma2 semaphore(%arg13 : memref<!tpu.dma_semaphore, #tpu.memory_space<semaphore_mem>>) src(%dma_wait3A_48 : memref<4x64xi32, #tpu.memory_space<hbm>>) dst(%arg6 : memref<4x64xi32, #tpu.memory_space<vmem>>)
    %dma_start3A_49 = arith.constant 0 : i32
    %dma_start3A_50 = arith.constant 0 : i32
    %dma_start3A_51 = arith.constant 0 : i32
    %dma_start3A_52 = tpu.memref_slice %arg10[%dma_start3A_50, %dma_start3A_51] : memref<128x128xf32, #tpu.memory_space<vmem>> -> memref<64x128xf32, #tpu.memory_space<vmem>>
    %dma_start3A_53 = arith.constant 0 : i32
    %dma_start3A_54 = tpu.memref_slice %arg6[%dma_start3A_49, %dma_start3A_53] : memref<4x64xi32, #tpu.memory_space<vmem>> -> memref<1x64xi32, #tpu.memory_space<vmem>>
    %dma_start3A_55 = tpu.memref_squeeze %dma_start3A_54 : memref<1x64xi32, #tpu.memory_space<vmem>> -> memref<64xi32, #tpu.memory_space<vmem>>
    %dma_start3A_56 = arith.constant 0 : i32
    %dma_start3A_57 = arith.constant 0 : i32
    %dma_start3A_58 = tpu.memref_slice %arg2[%dma_start3A_56, %dma_start3A_57] : memref<10240x128xf32, #tpu.memory_space<hbm>> -> memref<10240x128xf32, #tpu.memory_space<hbm>>
    tpu.enqueue_indirect_dma source(%dma_start3A_58 : memref<10240x128xf32, #tpu.memory_space<hbm>>) target(%dma_start3A_52 : memref<64x128xf32, #tpu.memory_space<vmem>>) offsets(%dma_start3A_55 : memref<64xi32, #tpu.memory_space<vmem>>) semaphore(%arg17 : memref<!tpu.dma_semaphore, #tpu.memory_space<semaphore_mem>>)
    %dma_start3A_59 = arith.constant 1 : i32
    %dma_start3A_60 = arith.constant 64 : i32
    %dma_start3A_61 = arith.constant 0 : i32
    %dma_start3A_62 = tpu.memref_slice %arg10[%dma_start3A_60, %dma_start3A_61] : memref<128x128xf32, #tpu.memory_space<vmem>> -> memref<64x128xf32, #tpu.memory_space<vmem>>
    %dma_start3A_63 = arith.constant 0 : i32
    %dma_start3A_64 = tpu.memref_slice %arg6[%dma_start3A_59, %dma_start3A_63] : memref<4x64xi32, #tpu.memory_space<vmem>> -> memref<1x64xi32, #tpu.memory_space<vmem>>
    %dma_start3A_65 = tpu.memref_squeeze %dma_start3A_64 : memref<1x64xi32, #tpu.memory_space<vmem>> -> memref<64xi32, #tpu.memory_space<vmem>>
    %dma_start3A_66 = arith.constant 0 : i32
    %dma_start3A_67 = arith.constant 0 : i32
    %dma_start3A_68 = tpu.memref_slice %arg2[%dma_start3A_66, %dma_start3A_67] : memref<10240x128xf32, #tpu.memory_space<hbm>> -> memref<10240x128xf32, #tpu.memory_space<hbm>>
    tpu.enqueue_indirect_dma source(%dma_start3A_68 : memref<10240x128xf32, #tpu.memory_space<hbm>>) target(%dma_start3A_62 : memref<64x128xf32, #tpu.memory_space<vmem>>) offsets(%dma_start3A_65 : memref<64xi32, #tpu.memory_space<vmem>>) semaphore(%arg17 : memref<!tpu.dma_semaphore, #tpu.memory_space<semaphore_mem>>)
    %scan3A = arith.constant 0 : i32
    %scan3A_69 = arith.constant 0 : i32
    %scan3A_70 = arith.constant 20 : i32
    %scan3A_71 = arith.addi %scan3A_69, %scan3A_70 : i32
    %scan3A_72 = arith.constant 1 : i32
    scf.for %scan3A_75 = %scan3A_69 to %scan3A_71 step %scan3A_72  : i32 {
      %mul3A_76 = arith.constant 4 : i32
      %mul3A_77 = arith.muli %scan3A_75, %mul3A_76 : i32
      %add3A_78 = arith.constant 0 : i32
      %add3A_79 = arith.addi %mul3A_77, %add3A_78 : i32
      %dma_wait3A_80 = arith.constant 0 : i32
      %dma_wait3A_81 = arith.constant 0 : i32
      %dma_wait3A_82 = arith.constant 0 : i32
      %dma_wait3A_83 = tpu.memref_slice %arg10[%dma_wait3A_81, %dma_wait3A_82] : memref<128x128xf32, #tpu.memory_space<vmem>> -> memref<64x128xf32, #tpu.memory_space<vmem>>
      %dma_wait3A_84 = arith.constant 0 : i32
      %dma_wait3A_85 = tpu.memref_slice %arg6[%dma_wait3A_80, %dma_wait3A_84] : memref<4x64xi32, #tpu.memory_space<vmem>> -> memref<1x64xi32, #tpu.memory_space<vmem>>
      %dma_wait3A_86 = tpu.memref_squeeze %dma_wait3A_85 : memref<1x64xi32, #tpu.memory_space<vmem>> -> memref<64xi32, #tpu.memory_space<vmem>>
      %dma_wait3A_87 = arith.constant 0 : i32
      %dma_wait3A_88 = arith.constant 0 : i32
      %dma_wait3A_89 = tpu.memref_slice %arg2[%dma_wait3A_87, %dma_wait3A_88] : memref<10240x128xf32, #tpu.memory_space<hbm>> -> memref<10240x128xf32, #tpu.memory_space<hbm>>
      tpu.wait_indirect_dma semaphore(%arg17 : memref<!tpu.dma_semaphore, #tpu.memory_space<semaphore_mem>>) src(%dma_wait3A_89 : memref<10240x128xf32, #tpu.memory_space<hbm>>) dst(%dma_wait3A_83 : memref<64x128xf32, #tpu.memory_space<vmem>>)
      %dma_wait3A_90 = arith.constant 1 : i32
      %dma_wait3A_91 = arith.constant 64 : i32
      %dma_wait3A_92 = arith.constant 0 : i32
      %dma_wait3A_93 = tpu.memref_slice %arg10[%dma_wait3A_91, %dma_wait3A_92] : memref<128x128xf32, #tpu.memory_space<vmem>> -> memref<64x128xf32, #tpu.memory_space<vmem>>
      %dma_wait3A_94 = arith.constant 0 : i32
      %dma_wait3A_95 = tpu.memref_slice %arg6[%dma_wait3A_90, %dma_wait3A_94] : memref<4x64xi32, #tpu.memory_space<vmem>> -> memref<1x64xi32, #tpu.memory_space<vmem>>
      %dma_wait3A_96 = tpu.memref_squeeze %dma_wait3A_95 : memref<1x64xi32, #tpu.memory_space<vmem>> -> memref<64xi32, #tpu.memory_space<vmem>>
      %dma_wait3A_97 = arith.constant 0 : i32
      %dma_wait3A_98 = arith.constant 0 : i32
      %dma_wait3A_99 = tpu.memref_slice %arg2[%dma_wait3A_97, %dma_wait3A_98] : memref<10240x128xf32, #tpu.memory_space<hbm>> -> memref<10240x128xf32, #tpu.memory_space<hbm>>
      tpu.wait_indirect_dma semaphore(%arg17 : memref<!tpu.dma_semaphore, #tpu.memory_space<semaphore_mem>>) src(%dma_wait3A_99 : memref<10240x128xf32, #tpu.memory_space<hbm>>) dst(%dma_wait3A_93 : memref<64x128xf32, #tpu.memory_space<vmem>>)
      %run_scoped3A = arith.constant 2 : i32
      "tpu.region"() ({
        %run_scoped3A_232 = tpu.sem_alloc : memref<!tpu.dma_semaphore, #tpu.memory_space<semaphore_mem>>
        %dma_start3A_233 = arith.constant 0 : i32
        %dma_start3A_234 = arith.constant 0 : i32
        %dma_start3A_235 = tpu.memref_slice %arg10[%dma_start3A_233, %dma_start3A_234] : memref<128x128xf32, #tpu.memory_space<vmem>> -> memref<64x128xf32, #tpu.memory_space<vmem>>
        %dma_start3A_236 = arith.constant 0 : i32
        %dma_start3A_237 = tpu.memref_slice %arg6[%run_scoped3A, %dma_start3A_236] : memref<4x64xi32, #tpu.memory_space<vmem>> -> memref<1x64xi32, #tpu.memory_space<vmem>>
        %dma_start3A_238 = tpu.memref_squeeze %dma_start3A_237 : memref<1x64xi32, #tpu.memory_space<vmem>> -> memref<64xi32, #tpu.memory_space<vmem>>
        %dma_start3A_239 = arith.constant 0 : i32
        %dma_start3A_240 = arith.constant 0 : i32
        %dma_start3A_241 = tpu.memref_slice %arg12[%dma_start3A_239, %dma_start3A_240] : memref<10240x128xf32, #tpu.memory_space<vmem_shared>> -> memref<10240x128xf32, #tpu.memory_space<vmem_shared>>
        tpu.enqueue_indirect_dma source(%dma_start3A_235 : memref<64x128xf32, #tpu.memory_space<vmem>>) target(%dma_start3A_241 : memref<10240x128xf32, #tpu.memory_space<vmem_shared>>) offsets(%dma_start3A_238 : memref<64xi32, #tpu.memory_space<vmem>>) semaphore(%run_scoped3A_232 : memref<!tpu.dma_semaphore, #tpu.memory_space<semaphore_mem>>) {add = true}
        %dma_wait3A_242 = arith.constant 0 : i32
        %dma_wait3A_243 = arith.constant 0 : i32
        %dma_wait3A_244 = tpu.memref_slice %arg10[%dma_wait3A_242, %dma_wait3A_243] : memref<128x128xf32, #tpu.memory_space<vmem>> -> memref<64x128xf32, #tpu.memory_space<vmem>>
        %dma_wait3A_245 = arith.constant 0 : i32
        %dma_wait3A_246 = tpu.memref_slice %arg6[%run_scoped3A, %dma_wait3A_245] : memref<4x64xi32, #tpu.memory_space<vmem>> -> memref<1x64xi32, #tpu.memory_space<vmem>>
        %dma_wait3A_247 = tpu.memref_squeeze %dma_wait3A_246 : memref<1x64xi32, #tpu.memory_space<vmem>> -> memref<64xi32, #tpu.memory_space<vmem>>
        %dma_wait3A_248 = arith.constant 0 : i32
        %dma_wait3A_249 = arith.constant 0 : i32
        %dma_wait3A_250 = tpu.memref_slice %arg12[%dma_wait3A_248, %dma_wait3A_249] : memref<10240x128xf32, #tpu.memory_space<vmem_shared>> -> memref<10240x128xf32, #tpu.memory_space<vmem_shared>>
        tpu.wait_indirect_dma semaphore(%run_scoped3A_232 : memref<!tpu.dma_semaphore, #tpu.memory_space<semaphore_mem>>) src(%dma_wait3A_244 : memref<64x128xf32, #tpu.memory_space<vmem>>) dst(%dma_wait3A_250 : memref<10240x128xf32, #tpu.memory_space<vmem_shared>>)
        tpu.yield
      }) : () -> ()
      %run_scoped3A_100 = arith.constant 3 : i32
      "tpu.region"() ({
        %run_scoped3A_232 = tpu.sem_alloc : memref<!tpu.dma_semaphore, #tpu.memory_space<semaphore_mem>>
        %dma_start3A_233 = arith.constant 64 : i32
        %dma_start3A_234 = arith.constant 0 : i32
        %dma_start3A_235 = tpu.memref_slice %arg10[%dma_start3A_233, %dma_start3A_234] : memref<128x128xf32, #tpu.memory_space<vmem>> -> memref<64x128xf32, #tpu.memory_space<vmem>>
        %dma_start3A_236 = arith.constant 0 : i32
        %dma_start3A_237 = tpu.memref_slice %arg6[%run_scoped3A_100, %dma_start3A_236] : memref<4x64xi32, #tpu.memory_space<vmem>> -> memref<1x64xi32, #tpu.memory_space<vmem>>
        %dma_start3A_238 = tpu.memref_squeeze %dma_start3A_237 : memref<1x64xi32, #tpu.memory_space<vmem>> -> memref<64xi32, #tpu.memory_space<vmem>>
        %dma_start3A_239 = arith.constant 0 : i32
        %dma_start3A_240 = arith.constant 0 : i32
        %dma_start3A_241 = tpu.memref_slice %arg12[%dma_start3A_239, %dma_start3A_240] : memref<10240x128xf32, #tpu.memory_space<vmem_shared>> -> memref<10240x128xf32, #tpu.memory_space<vmem_shared>>
        tpu.enqueue_indirect_dma source(%dma_start3A_235 : memref<64x128xf32, #tpu.memory_space<vmem>>) target(%dma_start3A_241 : memref<10240x128xf32, #tpu.memory_space<vmem_shared>>) offsets(%dma_start3A_238 : memref<64xi32, #tpu.memory_space<vmem>>) semaphore(%run_scoped3A_232 : memref<!tpu.dma_semaphore, #tpu.memory_space<semaphore_mem>>) {add = true}
        %dma_wait3A_242 = arith.constant 64 : i32
        %dma_wait3A_243 = arith.constant 0 : i32
        %dma_wait3A_244 = tpu.memref_slice %arg10[%dma_wait3A_242, %dma_wait3A_243] : memref<128x128xf32, #tpu.memory_space<vmem>> -> memref<64x128xf32, #tpu.memory_space<vmem>>
        %dma_wait3A_245 = arith.constant 0 : i32
        %dma_wait3A_246 = tpu.memref_slice %arg6[%run_scoped3A_100, %dma_wait3A_245] : memref<4x64xi32, #tpu.memory_space<vmem>> -> memref<1x64xi32, #tpu.memory_space<vmem>>
        %dma_wait3A_247 = tpu.memref_squeeze %dma_wait3A_246 : memref<1x64xi32, #tpu.memory_space<vmem>> -> memref<64xi32, #tpu.memory_space<vmem>>
        %dma_wait3A_248 = arith.constant 0 : i32
        %dma_wait3A_249 = arith.constant 0 : i32
        %dma_wait3A_250 = tpu.memref_slice %arg12[%dma_wait3A_248, %dma_wait3A_249] : memref<10240x128xf32, #tpu.memory_space<vmem_shared>> -> memref<10240x128xf32, #tpu.memory_space<vmem_shared>>
        tpu.wait_indirect_dma semaphore(%run_scoped3A_232 : memref<!tpu.dma_semaphore, #tpu.memory_space<semaphore_mem>>) src(%dma_wait3A_244 : memref<64x128xf32, #tpu.memory_space<vmem>>) dst(%dma_wait3A_250 : memref<10240x128xf32, #tpu.memory_space<vmem_shared>>)
        tpu.yield
      }) : () -> ()
      %add3A_101 = arith.constant 3 : i32
      %add3A_102 = arith.addi %add3A_79, %add3A_101 : i32
      %lt3A = arith.constant 80 : i32
      %lt3A_103 = arith.cmpi slt, %add3A_102, %lt3A : i32
      %convert_element_type3A = arith.extui %lt3A_103 : i1 to i32
      %cond3A = arith.constant 0 : i32
      %cond3A_104 = arith.cmpi ne, %convert_element_type3A, %cond3A : i32
      scf.if %cond3A_104 {
        %add3A_232 = arith.constant 3 : i32
        %add3A_233 = arith.addi %add3A_79, %add3A_232 : i32
        %mul3A_234 = arith.constant 80 : i32
        %mul3A_235 = arith.muli %add3A, %mul3A_234 : i32
        %add3A_236 = arith.addi %mul3A_235, %add3A_233 : i32
        %dma_start3A_237 = arith.constant 0 : i32
        %dma_start3A_238 = arith.constant 0 : i32
        %dma_start3A_239 = tpu.memref_slice %arg3[%add3A_236, %dma_start3A_237, %dma_start3A_238] : memref<2560x4x64xi32, #tpu.memory_space<hbm>> -> memref<1x4x64xi32, #tpu.memory_space<hbm>>
        %dma_start3A_240 = tpu.memref_squeeze %dma_start3A_239 : memref<1x4x64xi32, #tpu.memory_space<hbm>> -> memref<4x64xi32, #tpu.memory_space<hbm>>
        %dma_start3A_241 = arith.constant 0 : i32
        %dma_start3A_242 = arith.constant 0 : i32
        %dma_start3A_243 = tpu.memref_slice %arg3[%add3A_236, %dma_start3A_241, %dma_start3A_242] : memref<2560x4x64xi32, #tpu.memory_space<hbm>> -> memref<1x4x64xi32, #tpu.memory_space<hbm>>
        %dma_start3A_244 = tpu.memref_squeeze %dma_start3A_243 : memref<1x4x64xi32, #tpu.memory_space<hbm>> -> memref<4x64xi32, #tpu.memory_space<hbm>>
        tpu.enqueue_dma source(%dma_start3A_244 : memref<4x64xi32, #tpu.memory_space<hbm>>) target(%arg9 : memref<4x64xi32, #tpu.memory_space<vmem>>) target_semaphore(%arg16 : memref<!tpu.dma_semaphore, #tpu.memory_space<semaphore_mem>>)
      } else {
      }
      %add3A_105 = arith.constant 1 : i32
      %add3A_106 = arith.addi %add3A_79, %add3A_105 : i32
      %lt3A_107 = arith.constant 80 : i32
      %lt3A_108 = arith.cmpi slt, %add3A_106, %lt3A_107 : i32
      %convert_element_type3A_109 = arith.extui %lt3A_108 : i1 to i32
      %cond3A_110 = arith.constant 0 : i32
      %cond3A_111 = arith.cmpi ne, %convert_element_type3A_109, %cond3A_110 : i32
      scf.if %cond3A_111 {
        %add3A_232 = arith.constant 1 : i32
        %add3A_233 = arith.addi %add3A_79, %add3A_232 : i32
        %mul3A_234 = arith.constant 80 : i32
        %mul3A_235 = arith.muli %add3A, %mul3A_234 : i32
        %add3A_236 = arith.addi %mul3A_235, %add3A_233 : i32
        %dma_wait3A_237 = arith.constant 0 : i32
        %dma_wait3A_238 = arith.constant 0 : i32
        %dma_wait3A_239 = tpu.memref_slice %arg3[%add3A_236, %dma_wait3A_237, %dma_wait3A_238] : memref<2560x4x64xi32, #tpu.memory_space<hbm>> -> memref<1x4x64xi32, #tpu.memory_space<hbm>>
        %dma_wait3A_240 = tpu.memref_squeeze %dma_wait3A_239 : memref<1x4x64xi32, #tpu.memory_space<hbm>> -> memref<4x64xi32, #tpu.memory_space<hbm>>
        %dma_wait3A_241 = arith.constant 0 : i32
        %dma_wait3A_242 = arith.constant 0 : i32
        %dma_wait3A_243 = tpu.memref_slice %arg3[%add3A_236, %dma_wait3A_241, %dma_wait3A_242] : memref<2560x4x64xi32, #tpu.memory_space<hbm>> -> memref<1x4x64xi32, #tpu.memory_space<hbm>>
        %dma_wait3A_244 = tpu.memref_squeeze %dma_wait3A_243 : memref<1x4x64xi32, #tpu.memory_space<hbm>> -> memref<4x64xi32, #tpu.memory_space<hbm>>
        tpu.wait_dma2 semaphore(%arg14 : memref<!tpu.dma_semaphore, #tpu.memory_space<semaphore_mem>>) src(%dma_wait3A_244 : memref<4x64xi32, #tpu.memory_space<hbm>>) dst(%arg7 : memref<4x64xi32, #tpu.memory_space<vmem>>)
        %dma_start3A_245 = arith.constant 0 : i32
        %dma_start3A_246 = arith.constant 0 : i32
        %dma_start3A_247 = arith.constant 0 : i32
        %dma_start3A_248 = tpu.memref_slice %arg11[%dma_start3A_246, %dma_start3A_247] : memref<128x128xf32, #tpu.memory_space<vmem>> -> memref<64x128xf32, #tpu.memory_space<vmem>>
        %dma_start3A_249 = arith.constant 0 : i32
        %dma_start3A_250 = tpu.memref_slice %arg7[%dma_start3A_245, %dma_start3A_249] : memref<4x64xi32, #tpu.memory_space<vmem>> -> memref<1x64xi32, #tpu.memory_space<vmem>>
        %dma_start3A_251 = tpu.memref_squeeze %dma_start3A_250 : memref<1x64xi32, #tpu.memory_space<vmem>> -> memref<64xi32, #tpu.memory_space<vmem>>
        %dma_start3A_252 = arith.constant 0 : i32
        %dma_start3A_253 = arith.constant 0 : i32
        %dma_start3A_254 = tpu.memref_slice %arg2[%dma_start3A_252, %dma_start3A_253] : memref<10240x128xf32, #tpu.memory_space<hbm>> -> memref<10240x128xf32, #tpu.memory_space<hbm>>
        tpu.enqueue_indirect_dma source(%dma_start3A_254 : memref<10240x128xf32, #tpu.memory_space<hbm>>) target(%dma_start3A_248 : memref<64x128xf32, #tpu.memory_space<vmem>>) offsets(%dma_start3A_251 : memref<64xi32, #tpu.memory_space<vmem>>) semaphore(%arg18 : memref<!tpu.dma_semaphore, #tpu.memory_space<semaphore_mem>>)
        %dma_start3A_255 = arith.constant 1 : i32
        %dma_start3A_256 = arith.constant 64 : i32
        %dma_start3A_257 = arith.constant 0 : i32
        %dma_start3A_258 = tpu.memref_slice %arg11[%dma_start3A_256, %dma_start3A_257] : memref<128x128xf32, #tpu.memory_space<vmem>> -> memref<64x128xf32, #tpu.memory_space<vmem>>
        %dma_start3A_259 = arith.constant 0 : i32
        %dma_start3A_260 = tpu.memref_slice %arg7[%dma_start3A_255, %dma_start3A_259] : memref<4x64xi32, #tpu.memory_space<vmem>> -> memref<1x64xi32, #tpu.memory_space<vmem>>
        %dma_start3A_261 = tpu.memref_squeeze %dma_start3A_260 : memref<1x64xi32, #tpu.memory_space<vmem>> -> memref<64xi32, #tpu.memory_space<vmem>>
        %dma_start3A_262 = arith.constant 0 : i32
        %dma_start3A_263 = arith.constant 0 : i32
        %dma_start3A_264 = tpu.memref_slice %arg2[%dma_start3A_262, %dma_start3A_263] : memref<10240x128xf32, #tpu.memory_space<hbm>> -> memref<10240x128xf32, #tpu.memory_space<hbm>>
        tpu.enqueue_indirect_dma source(%dma_start3A_264 : memref<10240x128xf32, #tpu.memory_space<hbm>>) target(%dma_start3A_258 : memref<64x128xf32, #tpu.memory_space<vmem>>) offsets(%dma_start3A_261 : memref<64xi32, #tpu.memory_space<vmem>>) semaphore(%arg18 : memref<!tpu.dma_semaphore, #tpu.memory_space<semaphore_mem>>)
      } else {
      }
      %mul3A_112 = arith.constant 4 : i32
      %mul3A_113 = arith.muli %scan3A_75, %mul3A_112 : i32
      %add3A_114 = arith.constant 1 : i32
      %add3A_115 = arith.addi %mul3A_113, %add3A_114 : i32
      %dma_wait3A_116 = arith.constant 0 : i32
      %dma_wait3A_117 = arith.constant 0 : i32
      %dma_wait3A_118 = arith.constant 0 : i32
      %dma_wait3A_119 = tpu.memref_slice %arg11[%dma_wait3A_117, %dma_wait3A_118] : memref<128x128xf32, #tpu.memory_space<vmem>> -> memref<64x128xf32, #tpu.memory_space<vmem>>
      %dma_wait3A_120 = arith.constant 0 : i32
      %dma_wait3A_121 = tpu.memref_slice %arg7[%dma_wait3A_116, %dma_wait3A_120] : memref<4x64xi32, #tpu.memory_space<vmem>> -> memref<1x64xi32, #tpu.memory_space<vmem>>
      %dma_wait3A_122 = tpu.memref_squeeze %dma_wait3A_121 : memref<1x64xi32, #tpu.memory_space<vmem>> -> memref<64xi32, #tpu.memory_space<vmem>>
      %dma_wait3A_123 = arith.constant 0 : i32
      %dma_wait3A_124 = arith.constant 0 : i32
      %dma_wait3A_125 = tpu.memref_slice %arg2[%dma_wait3A_123, %dma_wait3A_124] : memref<10240x128xf32, #tpu.memory_space<hbm>> -> memref<10240x128xf32, #tpu.memory_space<hbm>>
      tpu.wait_indirect_dma semaphore(%arg18 : memref<!tpu.dma_semaphore, #tpu.memory_space<semaphore_mem>>) src(%dma_wait3A_125 : memref<10240x128xf32, #tpu.memory_space<hbm>>) dst(%dma_wait3A_119 : memref<64x128xf32, #tpu.memory_space<vmem>>)
      %dma_wait3A_126 = arith.constant 1 : i32
      %dma_wait3A_127 = arith.constant 64 : i32
      %dma_wait3A_128 = arith.constant 0 : i32
      %dma_wait3A_129 = tpu.memref_slice %arg11[%dma_wait3A_127, %dma_wait3A_128] : memref<128x128xf32, #tpu.memory_space<vmem>> -> memref<64x128xf32, #tpu.memory_space<vmem>>
      %dma_wait3A_130 = arith.constant 0 : i32
      %dma_wait3A_131 = tpu.memref_slice %arg7[%dma_wait3A_126, %dma_wait3A_130] : memref<4x64xi32, #tpu.memory_space<vmem>> -> memref<1x64xi32, #tpu.memory_space<vmem>>
      %dma_wait3A_132 = tpu.memref_squeeze %dma_wait3A_131 : memref<1x64xi32, #tpu.memory_space<vmem>> -> memref<64xi32, #tpu.memory_space<vmem>>
      %dma_wait3A_133 = arith.constant 0 : i32
      %dma_wait3A_134 = arith.constant 0 : i32
      %dma_wait3A_135 = tpu.memref_slice %arg2[%dma_wait3A_133, %dma_wait3A_134] : memref<10240x128xf32, #tpu.memory_space<hbm>> -> memref<10240x128xf32, #tpu.memory_space<hbm>>
      tpu.wait_indirect_dma semaphore(%arg18 : memref<!tpu.dma_semaphore, #tpu.memory_space<semaphore_mem>>) src(%dma_wait3A_135 : memref<10240x128xf32, #tpu.memory_space<hbm>>) dst(%dma_wait3A_129 : memref<64x128xf32, #tpu.memory_space<vmem>>)
      %run_scoped3A_136 = arith.constant 2 : i32
      "tpu.region"() ({
        %run_scoped3A_232 = tpu.sem_alloc : memref<!tpu.dma_semaphore, #tpu.memory_space<semaphore_mem>>
        %dma_start3A_233 = arith.constant 0 : i32
        %dma_start3A_234 = arith.constant 0 : i32
        %dma_start3A_235 = tpu.memref_slice %arg11[%dma_start3A_233, %dma_start3A_234] : memref<128x128xf32, #tpu.memory_space<vmem>> -> memref<64x128xf32, #tpu.memory_space<vmem>>
        %dma_start3A_236 = arith.constant 0 : i32
        %dma_start3A_237 = tpu.memref_slice %arg7[%run_scoped3A_136, %dma_start3A_236] : memref<4x64xi32, #tpu.memory_space<vmem>> -> memref<1x64xi32, #tpu.memory_space<vmem>>
        %dma_start3A_238 = tpu.memref_squeeze %dma_start3A_237 : memref<1x64xi32, #tpu.memory_space<vmem>> -> memref<64xi32, #tpu.memory_space<vmem>>
        %dma_start3A_239 = arith.constant 0 : i32
        %dma_start3A_240 = arith.constant 0 : i32
        %dma_start3A_241 = tpu.memref_slice %arg12[%dma_start3A_239, %dma_start3A_240] : memref<10240x128xf32, #tpu.memory_space<vmem_shared>> -> memref<10240x128xf32, #tpu.memory_space<vmem_shared>>
        tpu.enqueue_indirect_dma source(%dma_start3A_235 : memref<64x128xf32, #tpu.memory_space<vmem>>) target(%dma_start3A_241 : memref<10240x128xf32, #tpu.memory_space<vmem_shared>>) offsets(%dma_start3A_238 : memref<64xi32, #tpu.memory_space<vmem>>) semaphore(%run_scoped3A_232 : memref<!tpu.dma_semaphore, #tpu.memory_space<semaphore_mem>>) {add = true}
        %dma_wait3A_242 = arith.constant 0 : i32
        %dma_wait3A_243 = arith.constant 0 : i32
        %dma_wait3A_244 = tpu.memref_slice %arg11[%dma_wait3A_242, %dma_wait3A_243] : memref<128x128xf32, #tpu.memory_space<vmem>> -> memref<64x128xf32, #tpu.memory_space<vmem>>
        %dma_wait3A_245 = arith.constant 0 : i32
        %dma_wait3A_246 = tpu.memref_slice %arg7[%run_scoped3A_136, %dma_wait3A_245] : memref<4x64xi32, #tpu.memory_space<vmem>> -> memref<1x64xi32, #tpu.memory_space<vmem>>
        %dma_wait3A_247 = tpu.memref_squeeze %dma_wait3A_246 : memref<1x64xi32, #tpu.memory_space<vmem>> -> memref<64xi32, #tpu.memory_space<vmem>>
        %dma_wait3A_248 = arith.constant 0 : i32
        %dma_wait3A_249 = arith.constant 0 : i32
        %dma_wait3A_250 = tpu.memref_slice %arg12[%dma_wait3A_248, %dma_wait3A_249] : memref<10240x128xf32, #tpu.memory_space<vmem_shared>> -> memref<10240x128xf32, #tpu.memory_space<vmem_shared>>
        tpu.wait_indirect_dma semaphore(%run_scoped3A_232 : memref<!tpu.dma_semaphore, #tpu.memory_space<semaphore_mem>>) src(%dma_wait3A_244 : memref<64x128xf32, #tpu.memory_space<vmem>>) dst(%dma_wait3A_250 : memref<10240x128xf32, #tpu.memory_space<vmem_shared>>)
        tpu.yield
      }) : () -> ()
      %run_scoped3A_137 = arith.constant 3 : i32
      "tpu.region"() ({
        %run_scoped3A_232 = tpu.sem_alloc : memref<!tpu.dma_semaphore, #tpu.memory_space<semaphore_mem>>
        %dma_start3A_233 = arith.constant 64 : i32
        %dma_start3A_234 = arith.constant 0 : i32
        %dma_start3A_235 = tpu.memref_slice %arg11[%dma_start3A_233, %dma_start3A_234] : memref<128x128xf32, #tpu.memory_space<vmem>> -> memref<64x128xf32, #tpu.memory_space<vmem>>
        %dma_start3A_236 = arith.constant 0 : i32
        %dma_start3A_237 = tpu.memref_slice %arg7[%run_scoped3A_137, %dma_start3A_236] : memref<4x64xi32, #tpu.memory_space<vmem>> -> memref<1x64xi32, #tpu.memory_space<vmem>>
        %dma_start3A_238 = tpu.memref_squeeze %dma_start3A_237 : memref<1x64xi32, #tpu.memory_space<vmem>> -> memref<64xi32, #tpu.memory_space<vmem>>
        %dma_start3A_239 = arith.constant 0 : i32
        %dma_start3A_240 = arith.constant 0 : i32
        %dma_start3A_241 = tpu.memref_slice %arg12[%dma_start3A_239, %dma_start3A_240] : memref<10240x128xf32, #tpu.memory_space<vmem_shared>> -> memref<10240x128xf32, #tpu.memory_space<vmem_shared>>
        tpu.enqueue_indirect_dma source(%dma_start3A_235 : memref<64x128xf32, #tpu.memory_space<vmem>>) target(%dma_start3A_241 : memref<10240x128xf32, #tpu.memory_space<vmem_shared>>) offsets(%dma_start3A_238 : memref<64xi32, #tpu.memory_space<vmem>>) semaphore(%run_scoped3A_232 : memref<!tpu.dma_semaphore, #tpu.memory_space<semaphore_mem>>) {add = true}
        %dma_wait3A_242 = arith.constant 64 : i32
        %dma_wait3A_243 = arith.constant 0 : i32
        %dma_wait3A_244 = tpu.memref_slice %arg11[%dma_wait3A_242, %dma_wait3A_243] : memref<128x128xf32, #tpu.memory_space<vmem>> -> memref<64x128xf32, #tpu.memory_space<vmem>>
        %dma_wait3A_245 = arith.constant 0 : i32
        %dma_wait3A_246 = tpu.memref_slice %arg7[%run_scoped3A_137, %dma_wait3A_245] : memref<4x64xi32, #tpu.memory_space<vmem>> -> memref<1x64xi32, #tpu.memory_space<vmem>>
        %dma_wait3A_247 = tpu.memref_squeeze %dma_wait3A_246 : memref<1x64xi32, #tpu.memory_space<vmem>> -> memref<64xi32, #tpu.memory_space<vmem>>
        %dma_wait3A_248 = arith.constant 0 : i32
        %dma_wait3A_249 = arith.constant 0 : i32
        %dma_wait3A_250 = tpu.memref_slice %arg12[%dma_wait3A_248, %dma_wait3A_249] : memref<10240x128xf32, #tpu.memory_space<vmem_shared>> -> memref<10240x128xf32, #tpu.memory_space<vmem_shared>>
        tpu.wait_indirect_dma semaphore(%run_scoped3A_232 : memref<!tpu.dma_semaphore, #tpu.memory_space<semaphore_mem>>) src(%dma_wait3A_244 : memref<64x128xf32, #tpu.memory_space<vmem>>) dst(%dma_wait3A_250 : memref<10240x128xf32, #tpu.memory_space<vmem_shared>>)
        tpu.yield
      }) : () -> ()
      %add3A_138 = arith.constant 3 : i32
      %add3A_139 = arith.addi %add3A_115, %add3A_138 : i32
      %lt3A_140 = arith.constant 80 : i32
      %lt3A_141 = arith.cmpi slt, %add3A_139, %lt3A_140 : i32
      %convert_element_type3A_142 = arith.extui %lt3A_141 : i1 to i32
      %cond3A_143 = arith.constant 0 : i32
      %cond3A_144 = arith.cmpi ne, %convert_element_type3A_142, %cond3A_143 : i32
      scf.if %cond3A_144 {
        %add3A_232 = arith.constant 3 : i32
        %add3A_233 = arith.addi %add3A_115, %add3A_232 : i32
        %mul3A_234 = arith.constant 80 : i32
        %mul3A_235 = arith.muli %add3A, %mul3A_234 : i32
        %add3A_236 = arith.addi %mul3A_235, %add3A_233 : i32
        %dma_start3A_237 = arith.constant 0 : i32
        %dma_start3A_238 = arith.constant 0 : i32
        %dma_start3A_239 = tpu.memref_slice %arg3[%add3A_236, %dma_start3A_237, %dma_start3A_238] : memref<2560x4x64xi32, #tpu.memory_space<hbm>> -> memref<1x4x64xi32, #tpu.memory_space<hbm>>
        %dma_start3A_240 = tpu.memref_squeeze %dma_start3A_239 : memref<1x4x64xi32, #tpu.memory_space<hbm>> -> memref<4x64xi32, #tpu.memory_space<hbm>>
        %dma_start3A_241 = arith.constant 0 : i32
        %dma_start3A_242 = arith.constant 0 : i32
        %dma_start3A_243 = tpu.memref_slice %arg3[%add3A_236, %dma_start3A_241, %dma_start3A_242] : memref<2560x4x64xi32, #tpu.memory_space<hbm>> -> memref<1x4x64xi32, #tpu.memory_space<hbm>>
        %dma_start3A_244 = tpu.memref_squeeze %dma_start3A_243 : memref<1x4x64xi32, #tpu.memory_space<hbm>> -> memref<4x64xi32, #tpu.memory_space<hbm>>
        tpu.enqueue_dma source(%dma_start3A_244 : memref<4x64xi32, #tpu.memory_space<hbm>>) target(%arg6 : memref<4x64xi32, #tpu.memory_space<vmem>>) target_semaphore(%arg13 : memref<!tpu.dma_semaphore, #tpu.memory_space<semaphore_mem>>)
      } else {
      }
      %add3A_145 = arith.constant 1 : i32
      %add3A_146 = arith.addi %add3A_115, %add3A_145 : i32
      %lt3A_147 = arith.constant 80 : i32
      %lt3A_148 = arith.cmpi slt, %add3A_146, %lt3A_147 : i32
      %convert_element_type3A_149 = arith.extui %lt3A_148 : i1 to i32
      %cond3A_150 = arith.constant 0 : i32
      %cond3A_151 = arith.cmpi ne, %convert_element_type3A_149, %cond3A_150 : i32
      scf.if %cond3A_151 {
        %add3A_232 = arith.constant 1 : i32
        %add3A_233 = arith.addi %add3A_115, %add3A_232 : i32
        %mul3A_234 = arith.constant 80 : i32
        %mul3A_235 = arith.muli %add3A, %mul3A_234 : i32
        %add3A_236 = arith.addi %mul3A_235, %add3A_233 : i32
        %dma_wait3A_237 = arith.constant 0 : i32
        %dma_wait3A_238 = arith.constant 0 : i32
        %dma_wait3A_239 = tpu.memref_slice %arg3[%add3A_236, %dma_wait3A_237, %dma_wait3A_238] : memref<2560x4x64xi32, #tpu.memory_space<hbm>> -> memref<1x4x64xi32, #tpu.memory_space<hbm>>
        %dma_wait3A_240 = tpu.memref_squeeze %dma_wait3A_239 : memref<1x4x64xi32, #tpu.memory_space<hbm>> -> memref<4x64xi32, #tpu.memory_space<hbm>>
        %dma_wait3A_241 = arith.constant 0 : i32
        %dma_wait3A_242 = arith.constant 0 : i32
        %dma_wait3A_243 = tpu.memref_slice %arg3[%add3A_236, %dma_wait3A_241, %dma_wait3A_242] : memref<2560x4x64xi32, #tpu.memory_space<hbm>> -> memref<1x4x64xi32, #tpu.memory_space<hbm>>
        %dma_wait3A_244 = tpu.memref_squeeze %dma_wait3A_243 : memref<1x4x64xi32, #tpu.memory_space<hbm>> -> memref<4x64xi32, #tpu.memory_space<hbm>>
        tpu.wait_dma2 semaphore(%arg15 : memref<!tpu.dma_semaphore, #tpu.memory_space<semaphore_mem>>) src(%dma_wait3A_244 : memref<4x64xi32, #tpu.memory_space<hbm>>) dst(%arg8 : memref<4x64xi32, #tpu.memory_space<vmem>>)
        %dma_start3A_245 = arith.constant 0 : i32
        %dma_start3A_246 = arith.constant 0 : i32
        %dma_start3A_247 = arith.constant 0 : i32
        %dma_start3A_248 = tpu.memref_slice %arg10[%dma_start3A_246, %dma_start3A_247] : memref<128x128xf32, #tpu.memory_space<vmem>> -> memref<64x128xf32, #tpu.memory_space<vmem>>
        %dma_start3A_249 = arith.constant 0 : i32
        %dma_start3A_250 = tpu.memref_slice %arg8[%dma_start3A_245, %dma_start3A_249] : memref<4x64xi32, #tpu.memory_space<vmem>> -> memref<1x64xi32, #tpu.memory_space<vmem>>
        %dma_start3A_251 = tpu.memref_squeeze %dma_start3A_250 : memref<1x64xi32, #tpu.memory_space<vmem>> -> memref<64xi32, #tpu.memory_space<vmem>>
        %dma_start3A_252 = arith.constant 0 : i32
        %dma_start3A_253 = arith.constant 0 : i32
        %dma_start3A_254 = tpu.memref_slice %arg2[%dma_start3A_252, %dma_start3A_253] : memref<10240x128xf32, #tpu.memory_space<hbm>> -> memref<10240x128xf32, #tpu.memory_space<hbm>>
        tpu.enqueue_indirect_dma source(%dma_start3A_254 : memref<10240x128xf32, #tpu.memory_space<hbm>>) target(%dma_start3A_248 : memref<64x128xf32, #tpu.memory_space<vmem>>) offsets(%dma_start3A_251 : memref<64xi32, #tpu.memory_space<vmem>>) semaphore(%arg17 : memref<!tpu.dma_semaphore, #tpu.memory_space<semaphore_mem>>)
        %dma_start3A_255 = arith.constant 1 : i32
        %dma_start3A_256 = arith.constant 64 : i32
        %dma_start3A_257 = arith.constant 0 : i32
        %dma_start3A_258 = tpu.memref_slice %arg10[%dma_start3A_256, %dma_start3A_257] : memref<128x128xf32, #tpu.memory_space<vmem>> -> memref<64x128xf32, #tpu.memory_space<vmem>>
        %dma_start3A_259 = arith.constant 0 : i32
        %dma_start3A_260 = tpu.memref_slice %arg8[%dma_start3A_255, %dma_start3A_259] : memref<4x64xi32, #tpu.memory_space<vmem>> -> memref<1x64xi32, #tpu.memory_space<vmem>>
        %dma_start3A_261 = tpu.memref_squeeze %dma_start3A_260 : memref<1x64xi32, #tpu.memory_space<vmem>> -> memref<64xi32, #tpu.memory_space<vmem>>
        %dma_start3A_262 = arith.constant 0 : i32
        %dma_start3A_263 = arith.constant 0 : i32
        %dma_start3A_264 = tpu.memref_slice %arg2[%dma_start3A_262, %dma_start3A_263] : memref<10240x128xf32, #tpu.memory_space<hbm>> -> memref<10240x128xf32, #tpu.memory_space<hbm>>
        tpu.enqueue_indirect_dma source(%dma_start3A_264 : memref<10240x128xf32, #tpu.memory_space<hbm>>) target(%dma_start3A_258 : memref<64x128xf32, #tpu.memory_space<vmem>>) offsets(%dma_start3A_261 : memref<64xi32, #tpu.memory_space<vmem>>) semaphore(%arg17 : memref<!tpu.dma_semaphore, #tpu.memory_space<semaphore_mem>>)
      } else {
      }
      %mul3A_152 = arith.constant 4 : i32
      %mul3A_153 = arith.muli %scan3A_75, %mul3A_152 : i32
      %add3A_154 = arith.constant 2 : i32
      %add3A_155 = arith.addi %mul3A_153, %add3A_154 : i32
      %dma_wait3A_156 = arith.constant 0 : i32
      %dma_wait3A_157 = arith.constant 0 : i32
      %dma_wait3A_158 = arith.constant 0 : i32
      %dma_wait3A_159 = tpu.memref_slice %arg10[%dma_wait3A_157, %dma_wait3A_158] : memref<128x128xf32, #tpu.memory_space<vmem>> -> memref<64x128xf32, #tpu.memory_space<vmem>>
      %dma_wait3A_160 = arith.constant 0 : i32
      %dma_wait3A_161 = tpu.memref_slice %arg8[%dma_wait3A_156, %dma_wait3A_160] : memref<4x64xi32, #tpu.memory_space<vmem>> -> memref<1x64xi32, #tpu.memory_space<vmem>>
      %dma_wait3A_162 = tpu.memref_squeeze %dma_wait3A_161 : memref<1x64xi32, #tpu.memory_space<vmem>> -> memref<64xi32, #tpu.memory_space<vmem>>
      %dma_wait3A_163 = arith.constant 0 : i32
      %dma_wait3A_164 = arith.constant 0 : i32
      %dma_wait3A_165 = tpu.memref_slice %arg2[%dma_wait3A_163, %dma_wait3A_164] : memref<10240x128xf32, #tpu.memory_space<hbm>> -> memref<10240x128xf32, #tpu.memory_space<hbm>>
      tpu.wait_indirect_dma semaphore(%arg17 : memref<!tpu.dma_semaphore, #tpu.memory_space<semaphore_mem>>) src(%dma_wait3A_165 : memref<10240x128xf32, #tpu.memory_space<hbm>>) dst(%dma_wait3A_159 : memref<64x128xf32, #tpu.memory_space<vmem>>)
      %dma_wait3A_166 = arith.constant 1 : i32
      %dma_wait3A_167 = arith.constant 64 : i32
      %dma_wait3A_168 = arith.constant 0 : i32
      %dma_wait3A_169 = tpu.memref_slice %arg10[%dma_wait3A_167, %dma_wait3A_168] : memref<128x128xf32, #tpu.memory_space<vmem>> -> memref<64x128xf32, #tpu.memory_space<vmem>>
      %dma_wait3A_170 = arith.constant 0 : i32
      %dma_wait3A_171 = tpu.memref_slice %arg8[%dma_wait3A_166, %dma_wait3A_170] : memref<4x64xi32, #tpu.memory_space<vmem>> -> memref<1x64xi32, #tpu.memory_space<vmem>>
      %dma_wait3A_172 = tpu.memref_squeeze %dma_wait3A_171 : memref<1x64xi32, #tpu.memory_space<vmem>> -> memref<64xi32, #tpu.memory_space<vmem>>
      %dma_wait3A_173 = arith.constant 0 : i32
      %dma_wait3A_174 = arith.constant 0 : i32
      %dma_wait3A_175 = tpu.memref_slice %arg2[%dma_wait3A_173, %dma_wait3A_174] : memref<10240x128xf32, #tpu.memory_space<hbm>> -> memref<10240x128xf32, #tpu.memory_space<hbm>>
      tpu.wait_indirect_dma semaphore(%arg17 : memref<!tpu.dma_semaphore, #tpu.memory_space<semaphore_mem>>) src(%dma_wait3A_175 : memref<10240x128xf32, #tpu.memory_space<hbm>>) dst(%dma_wait3A_169 : memref<64x128xf32, #tpu.memory_space<vmem>>)
      %run_scoped3A_176 = arith.constant 2 : i32
      "tpu.region"() ({
        %run_scoped3A_232 = tpu.sem_alloc : memref<!tpu.dma_semaphore, #tpu.memory_space<semaphore_mem>>
        %dma_start3A_233 = arith.constant 0 : i32
        %dma_start3A_234 = arith.constant 0 : i32
        %dma_start3A_235 = tpu.memref_slice %arg10[%dma_start3A_233, %dma_start3A_234] : memref<128x128xf32, #tpu.memory_space<vmem>> -> memref<64x128xf32, #tpu.memory_space<vmem>>
        %dma_start3A_236 = arith.constant 0 : i32
        %dma_start3A_237 = tpu.memref_slice %arg8[%run_scoped3A_176, %dma_start3A_236] : memref<4x64xi32, #tpu.memory_space<vmem>> -> memref<1x64xi32, #tpu.memory_space<vmem>>
        %dma_start3A_238 = tpu.memref_squeeze %dma_start3A_237 : memref<1x64xi32, #tpu.memory_space<vmem>> -> memref<64xi32, #tpu.memory_space<vmem>>
        %dma_start3A_239 = arith.constant 0 : i32
        %dma_start3A_240 = arith.constant 0 : i32
        %dma_start3A_241 = tpu.memref_slice %arg12[%dma_start3A_239, %dma_start3A_240] : memref<10240x128xf32, #tpu.memory_space<vmem_shared>> -> memref<10240x128xf32, #tpu.memory_space<vmem_shared>>
        tpu.enqueue_indirect_dma source(%dma_start3A_235 : memref<64x128xf32, #tpu.memory_space<vmem>>) target(%dma_start3A_241 : memref<10240x128xf32, #tpu.memory_space<vmem_shared>>) offsets(%dma_start3A_238 : memref<64xi32, #tpu.memory_space<vmem>>) semaphore(%run_scoped3A_232 : memref<!tpu.dma_semaphore, #tpu.memory_space<semaphore_mem>>) {add = true}
        %dma_wait3A_242 = arith.constant 0 : i32
        %dma_wait3A_243 = arith.constant 0 : i32
        %dma_wait3A_244 = tpu.memref_slice %arg10[%dma_wait3A_242, %dma_wait3A_243] : memref<128x128xf32, #tpu.memory_space<vmem>> -> memref<64x128xf32, #tpu.memory_space<vmem>>
        %dma_wait3A_245 = arith.constant 0 : i32
        %dma_wait3A_246 = tpu.memref_slice %arg8[%run_scoped3A_176, %dma_wait3A_245] : memref<4x64xi32, #tpu.memory_space<vmem>> -> memref<1x64xi32, #tpu.memory_space<vmem>>
        %dma_wait3A_247 = tpu.memref_squeeze %dma_wait3A_246 : memref<1x64xi32, #tpu.memory_space<vmem>> -> memref<64xi32, #tpu.memory_space<vmem>>
        %dma_wait3A_248 = arith.constant 0 : i32
        %dma_wait3A_249 = arith.constant 0 : i32
        %dma_wait3A_250 = tpu.memref_slice %arg12[%dma_wait3A_248, %dma_wait3A_249] : memref<10240x128xf32, #tpu.memory_space<vmem_shared>> -> memref<10240x128xf32, #tpu.memory_space<vmem_shared>>
        tpu.wait_indirect_dma semaphore(%run_scoped3A_232 : memref<!tpu.dma_semaphore, #tpu.memory_space<semaphore_mem>>) src(%dma_wait3A_244 : memref<64x128xf32, #tpu.memory_space<vmem>>) dst(%dma_wait3A_250 : memref<10240x128xf32, #tpu.memory_space<vmem_shared>>)
        tpu.yield
      }) : () -> ()
      %run_scoped3A_177 = arith.constant 3 : i32
      "tpu.region"() ({
        %run_scoped3A_232 = tpu.sem_alloc : memref<!tpu.dma_semaphore, #tpu.memory_space<semaphore_mem>>
        %dma_start3A_233 = arith.constant 64 : i32
        %dma_start3A_234 = arith.constant 0 : i32
        %dma_start3A_235 = tpu.memref_slice %arg10[%dma_start3A_233, %dma_start3A_234] : memref<128x128xf32, #tpu.memory_space<vmem>> -> memref<64x128xf32, #tpu.memory_space<vmem>>
        %dma_start3A_236 = arith.constant 0 : i32
        %dma_start3A_237 = tpu.memref_slice %arg8[%run_scoped3A_177, %dma_start3A_236] : memref<4x64xi32, #tpu.memory_space<vmem>> -> memref<1x64xi32, #tpu.memory_space<vmem>>
        %dma_start3A_238 = tpu.memref_squeeze %dma_start3A_237 : memref<1x64xi32, #tpu.memory_space<vmem>> -> memref<64xi32, #tpu.memory_space<vmem>>
        %dma_start3A_239 = arith.constant 0 : i32
        %dma_start3A_240 = arith.constant 0 : i32
        %dma_start3A_241 = tpu.memref_slice %arg12[%dma_start3A_239, %dma_start3A_240] : memref<10240x128xf32, #tpu.memory_space<vmem_shared>> -> memref<10240x128xf32, #tpu.memory_space<vmem_shared>>
        tpu.enqueue_indirect_dma source(%dma_start3A_235 : memref<64x128xf32, #tpu.memory_space<vmem>>) target(%dma_start3A_241 : memref<10240x128xf32, #tpu.memory_space<vmem_shared>>) offsets(%dma_start3A_238 : memref<64xi32, #tpu.memory_space<vmem>>) semaphore(%run_scoped3A_232 : memref<!tpu.dma_semaphore, #tpu.memory_space<semaphore_mem>>) {add = true}
        %dma_wait3A_242 = arith.constant 64 : i32
        %dma_wait3A_243 = arith.constant 0 : i32
        %dma_wait3A_244 = tpu.memref_slice %arg10[%dma_wait3A_242, %dma_wait3A_243] : memref<128x128xf32, #tpu.memory_space<vmem>> -> memref<64x128xf32, #tpu.memory_space<vmem>>
        %dma_wait3A_245 = arith.constant 0 : i32
        %dma_wait3A_246 = tpu.memref_slice %arg8[%run_scoped3A_177, %dma_wait3A_245] : memref<4x64xi32, #tpu.memory_space<vmem>> -> memref<1x64xi32, #tpu.memory_space<vmem>>
        %dma_wait3A_247 = tpu.memref_squeeze %dma_wait3A_246 : memref<1x64xi32, #tpu.memory_space<vmem>> -> memref<64xi32, #tpu.memory_space<vmem>>
        %dma_wait3A_248 = arith.constant 0 : i32
        %dma_wait3A_249 = arith.constant 0 : i32
        %dma_wait3A_250 = tpu.memref_slice %arg12[%dma_wait3A_248, %dma_wait3A_249] : memref<10240x128xf32, #tpu.memory_space<vmem_shared>> -> memref<10240x128xf32, #tpu.memory_space<vmem_shared>>
        tpu.wait_indirect_dma semaphore(%run_scoped3A_232 : memref<!tpu.dma_semaphore, #tpu.memory_space<semaphore_mem>>) src(%dma_wait3A_244 : memref<64x128xf32, #tpu.memory_space<vmem>>) dst(%dma_wait3A_250 : memref<10240x128xf32, #tpu.memory_space<vmem_shared>>)
        tpu.yield
      }) : () -> ()
      %add3A_178 = arith.constant 3 : i32
      %add3A_179 = arith.addi %add3A_155, %add3A_178 : i32
      %lt3A_180 = arith.constant 80 : i32
      %lt3A_181 = arith.cmpi slt, %add3A_179, %lt3A_180 : i32
      %convert_element_type3A_182 = arith.extui %lt3A_181 : i1 to i32
      %cond3A_183 = arith.constant 0 : i32
      %cond3A_184 = arith.cmpi ne, %convert_element_type3A_182, %cond3A_183 : i32
      scf.if %cond3A_184 {
        %add3A_232 = arith.constant 3 : i32
        %add3A_233 = arith.addi %add3A_155, %add3A_232 : i32
        %mul3A_234 = arith.constant 80 : i32
        %mul3A_235 = arith.muli %add3A, %mul3A_234 : i32
        %add3A_236 = arith.addi %mul3A_235, %add3A_233 : i32
        %dma_start3A_237 = arith.constant 0 : i32
        %dma_start3A_238 = arith.constant 0 : i32
        %dma_start3A_239 = tpu.memref_slice %arg3[%add3A_236, %dma_start3A_237, %dma_start3A_238] : memref<2560x4x64xi32, #tpu.memory_space<hbm>> -> memref<1x4x64xi32, #tpu.memory_space<hbm>>
        %dma_start3A_240 = tpu.memref_squeeze %dma_start3A_239 : memref<1x4x64xi32, #tpu.memory_space<hbm>> -> memref<4x64xi32, #tpu.memory_space<hbm>>
        %dma_start3A_241 = arith.constant 0 : i32
        %dma_start3A_242 = arith.constant 0 : i32
        %dma_start3A_243 = tpu.memref_slice %arg3[%add3A_236, %dma_start3A_241, %dma_start3A_242] : memref<2560x4x64xi32, #tpu.memory_space<hbm>> -> memref<1x4x64xi32, #tpu.memory_space<hbm>>
        %dma_start3A_244 = tpu.memref_squeeze %dma_start3A_243 : memref<1x4x64xi32, #tpu.memory_space<hbm>> -> memref<4x64xi32, #tpu.memory_space<hbm>>
        tpu.enqueue_dma source(%dma_start3A_244 : memref<4x64xi32, #tpu.memory_space<hbm>>) target(%arg7 : memref<4x64xi32, #tpu.memory_space<vmem>>) target_semaphore(%arg14 : memref<!tpu.dma_semaphore, #tpu.memory_space<semaphore_mem>>)
      } else {
      }
      %add3A_185 = arith.constant 1 : i32
      %add3A_186 = arith.addi %add3A_155, %add3A_185 : i32
      %lt3A_187 = arith.constant 80 : i32
      %lt3A_188 = arith.cmpi slt, %add3A_186, %lt3A_187 : i32
      %convert_element_type3A_189 = arith.extui %lt3A_188 : i1 to i32
      %cond3A_190 = arith.constant 0 : i32
      %cond3A_191 = arith.cmpi ne, %convert_element_type3A_189, %cond3A_190 : i32
      scf.if %cond3A_191 {
        %add3A_232 = arith.constant 1 : i32
        %add3A_233 = arith.addi %add3A_155, %add3A_232 : i32
        %mul3A_234 = arith.constant 80 : i32
        %mul3A_235 = arith.muli %add3A, %mul3A_234 : i32
        %add3A_236 = arith.addi %mul3A_235, %add3A_233 : i32
        %dma_wait3A_237 = arith.constant 0 : i32
        %dma_wait3A_238 = arith.constant 0 : i32
        %dma_wait3A_239 = tpu.memref_slice %arg3[%add3A_236, %dma_wait3A_237, %dma_wait3A_238] : memref<2560x4x64xi32, #tpu.memory_space<hbm>> -> memref<1x4x64xi32, #tpu.memory_space<hbm>>
        %dma_wait3A_240 = tpu.memref_squeeze %dma_wait3A_239 : memref<1x4x64xi32, #tpu.memory_space<hbm>> -> memref<4x64xi32, #tpu.memory_space<hbm>>
        %dma_wait3A_241 = arith.constant 0 : i32
        %dma_wait3A_242 = arith.constant 0 : i32
        %dma_wait3A_243 = tpu.memref_slice %arg3[%add3A_236, %dma_wait3A_241, %dma_wait3A_242] : memref<2560x4x64xi32, #tpu.memory_space<hbm>> -> memref<1x4x64xi32, #tpu.memory_space<hbm>>
        %dma_wait3A_244 = tpu.memref_squeeze %dma_wait3A_243 : memref<1x4x64xi32, #tpu.memory_space<hbm>> -> memref<4x64xi32, #tpu.memory_space<hbm>>
        tpu.wait_dma2 semaphore(%arg16 : memref<!tpu.dma_semaphore, #tpu.memory_space<semaphore_mem>>) src(%dma_wait3A_244 : memref<4x64xi32, #tpu.memory_space<hbm>>) dst(%arg9 : memref<4x64xi32, #tpu.memory_space<vmem>>)
        %dma_start3A_245 = arith.constant 0 : i32
        %dma_start3A_246 = arith.constant 0 : i32
        %dma_start3A_247 = arith.constant 0 : i32
        %dma_start3A_248 = tpu.memref_slice %arg11[%dma_start3A_246, %dma_start3A_247] : memref<128x128xf32, #tpu.memory_space<vmem>> -> memref<64x128xf32, #tpu.memory_space<vmem>>
        %dma_start3A_249 = arith.constant 0 : i32
        %dma_start3A_250 = tpu.memref_slice %arg9[%dma_start3A_245, %dma_start3A_249] : memref<4x64xi32, #tpu.memory_space<vmem>> -> memref<1x64xi32, #tpu.memory_space<vmem>>
        %dma_start3A_251 = tpu.memref_squeeze %dma_start3A_250 : memref<1x64xi32, #tpu.memory_space<vmem>> -> memref<64xi32, #tpu.memory_space<vmem>>
        %dma_start3A_252 = arith.constant 0 : i32
        %dma_start3A_253 = arith.constant 0 : i32
        %dma_start3A_254 = tpu.memref_slice %arg2[%dma_start3A_252, %dma_start3A_253] : memref<10240x128xf32, #tpu.memory_space<hbm>> -> memref<10240x128xf32, #tpu.memory_space<hbm>>
        tpu.enqueue_indirect_dma source(%dma_start3A_254 : memref<10240x128xf32, #tpu.memory_space<hbm>>) target(%dma_start3A_248 : memref<64x128xf32, #tpu.memory_space<vmem>>) offsets(%dma_start3A_251 : memref<64xi32, #tpu.memory_space<vmem>>) semaphore(%arg18 : memref<!tpu.dma_semaphore, #tpu.memory_space<semaphore_mem>>)
        %dma_start3A_255 = arith.constant 1 : i32
        %dma_start3A_256 = arith.constant 64 : i32
        %dma_start3A_257 = arith.constant 0 : i32
        %dma_start3A_258 = tpu.memref_slice %arg11[%dma_start3A_256, %dma_start3A_257] : memref<128x128xf32, #tpu.memory_space<vmem>> -> memref<64x128xf32, #tpu.memory_space<vmem>>
        %dma_start3A_259 = arith.constant 0 : i32
        %dma_start3A_260 = tpu.memref_slice %arg9[%dma_start3A_255, %dma_start3A_259] : memref<4x64xi32, #tpu.memory_space<vmem>> -> memref<1x64xi32, #tpu.memory_space<vmem>>
        %dma_start3A_261 = tpu.memref_squeeze %dma_start3A_260 : memref<1x64xi32, #tpu.memory_space<vmem>> -> memref<64xi32, #tpu.memory_space<vmem>>
        %dma_start3A_262 = arith.constant 0 : i32
        %dma_start3A_263 = arith.constant 0 : i32
        %dma_start3A_264 = tpu.memref_slice %arg2[%dma_start3A_262, %dma_start3A_263] : memref<10240x128xf32, #tpu.memory_space<hbm>> -> memref<10240x128xf32, #tpu.memory_space<hbm>>
        tpu.enqueue_indirect_dma source(%dma_start3A_264 : memref<10240x128xf32, #tpu.memory_space<hbm>>) target(%dma_start3A_258 : memref<64x128xf32, #tpu.memory_space<vmem>>) offsets(%dma_start3A_261 : memref<64xi32, #tpu.memory_space<vmem>>) semaphore(%arg18 : memref<!tpu.dma_semaphore, #tpu.memory_space<semaphore_mem>>)
      } else {
      }
      %mul3A_192 = arith.constant 4 : i32
      %mul3A_193 = arith.muli %scan3A_75, %mul3A_192 : i32
      %add3A_194 = arith.constant 3 : i32
      %add3A_195 = arith.addi %mul3A_193, %add3A_194 : i32
      %dma_wait3A_196 = arith.constant 0 : i32
      %dma_wait3A_197 = arith.constant 0 : i32
      %dma_wait3A_198 = arith.constant 0 : i32
      %dma_wait3A_199 = tpu.memref_slice %arg11[%dma_wait3A_197, %dma_wait3A_198] : memref<128x128xf32, #tpu.memory_space<vmem>> -> memref<64x128xf32, #tpu.memory_space<vmem>>
      %dma_wait3A_200 = arith.constant 0 : i32
      %dma_wait3A_201 = tpu.memref_slice %arg9[%dma_wait3A_196, %dma_wait3A_200] : memref<4x64xi32, #tpu.memory_space<vmem>> -> memref<1x64xi32, #tpu.memory_space<vmem>>
      %dma_wait3A_202 = tpu.memref_squeeze %dma_wait3A_201 : memref<1x64xi32, #tpu.memory_space<vmem>> -> memref<64xi32, #tpu.memory_space<vmem>>
      %dma_wait3A_203 = arith.constant 0 : i32
      %dma_wait3A_204 = arith.constant 0 : i32
      %dma_wait3A_205 = tpu.memref_slice %arg2[%dma_wait3A_203, %dma_wait3A_204] : memref<10240x128xf32, #tpu.memory_space<hbm>> -> memref<10240x128xf32, #tpu.memory_space<hbm>>
      tpu.wait_indirect_dma semaphore(%arg18 : memref<!tpu.dma_semaphore, #tpu.memory_space<semaphore_mem>>) src(%dma_wait3A_205 : memref<10240x128xf32, #tpu.memory_space<hbm>>) dst(%dma_wait3A_199 : memref<64x128xf32, #tpu.memory_space<vmem>>)
      %dma_wait3A_206 = arith.constant 1 : i32
      %dma_wait3A_207 = arith.constant 64 : i32
      %dma_wait3A_208 = arith.constant 0 : i32
      %dma_wait3A_209 = tpu.memref_slice %arg11[%dma_wait3A_207, %dma_wait3A_208] : memref<128x128xf32, #tpu.memory_space<vmem>> -> memref<64x128xf32, #tpu.memory_space<vmem>>
      %dma_wait3A_210 = arith.constant 0 : i32
      %dma_wait3A_211 = tpu.memref_slice %arg9[%dma_wait3A_206, %dma_wait3A_210] : memref<4x64xi32, #tpu.memory_space<vmem>> -> memref<1x64xi32, #tpu.memory_space<vmem>>
      %dma_wait3A_212 = tpu.memref_squeeze %dma_wait3A_211 : memref<1x64xi32, #tpu.memory_space<vmem>> -> memref<64xi32, #tpu.memory_space<vmem>>
      %dma_wait3A_213 = arith.constant 0 : i32
      %dma_wait3A_214 = arith.constant 0 : i32
      %dma_wait3A_215 = tpu.memref_slice %arg2[%dma_wait3A_213, %dma_wait3A_214] : memref<10240x128xf32, #tpu.memory_space<hbm>> -> memref<10240x128xf32, #tpu.memory_space<hbm>>
      tpu.wait_indirect_dma semaphore(%arg18 : memref<!tpu.dma_semaphore, #tpu.memory_space<semaphore_mem>>) src(%dma_wait3A_215 : memref<10240x128xf32, #tpu.memory_space<hbm>>) dst(%dma_wait3A_209 : memref<64x128xf32, #tpu.memory_space<vmem>>)
      %run_scoped3A_216 = arith.constant 2 : i32
      "tpu.region"() ({
        %run_scoped3A_232 = tpu.sem_alloc : memref<!tpu.dma_semaphore, #tpu.memory_space<semaphore_mem>>
        %dma_start3A_233 = arith.constant 0 : i32
        %dma_start3A_234 = arith.constant 0 : i32
        %dma_start3A_235 = tpu.memref_slice %arg11[%dma_start3A_233, %dma_start3A_234] : memref<128x128xf32, #tpu.memory_space<vmem>> -> memref<64x128xf32, #tpu.memory_space<vmem>>
        %dma_start3A_236 = arith.constant 0 : i32
        %dma_start3A_237 = tpu.memref_slice %arg9[%run_scoped3A_216, %dma_start3A_236] : memref<4x64xi32, #tpu.memory_space<vmem>> -> memref<1x64xi32, #tpu.memory_space<vmem>>
        %dma_start3A_238 = tpu.memref_squeeze %dma_start3A_237 : memref<1x64xi32, #tpu.memory_space<vmem>> -> memref<64xi32, #tpu.memory_space<vmem>>
        %dma_start3A_239 = arith.constant 0 : i32
        %dma_start3A_240 = arith.constant 0 : i32
        %dma_start3A_241 = tpu.memref_slice %arg12[%dma_start3A_239, %dma_start3A_240] : memref<10240x128xf32, #tpu.memory_space<vmem_shared>> -> memref<10240x128xf32, #tpu.memory_space<vmem_shared>>
        tpu.enqueue_indirect_dma source(%dma_start3A_235 : memref<64x128xf32, #tpu.memory_space<vmem>>) target(%dma_start3A_241 : memref<10240x128xf32, #tpu.memory_space<vmem_shared>>) offsets(%dma_start3A_238 : memref<64xi32, #tpu.memory_space<vmem>>) semaphore(%run_scoped3A_232 : memref<!tpu.dma_semaphore, #tpu.memory_space<semaphore_mem>>) {add = true}
        %dma_wait3A_242 = arith.constant 0 : i32
        %dma_wait3A_243 = arith.constant 0 : i32
        %dma_wait3A_244 = tpu.memref_slice %arg11[%dma_wait3A_242, %dma_wait3A_243] : memref<128x128xf32, #tpu.memory_space<vmem>> -> memref<64x128xf32, #tpu.memory_space<vmem>>
        %dma_wait3A_245 = arith.constant 0 : i32
        %dma_wait3A_246 = tpu.memref_slice %arg9[%run_scoped3A_216, %dma_wait3A_245] : memref<4x64xi32, #tpu.memory_space<vmem>> -> memref<1x64xi32, #tpu.memory_space<vmem>>
        %dma_wait3A_247 = tpu.memref_squeeze %dma_wait3A_246 : memref<1x64xi32, #tpu.memory_space<vmem>> -> memref<64xi32, #tpu.memory_space<vmem>>
        %dma_wait3A_248 = arith.constant 0 : i32
        %dma_wait3A_249 = arith.constant 0 : i32
        %dma_wait3A_250 = tpu.memref_slice %arg12[%dma_wait3A_248, %dma_wait3A_249] : memref<10240x128xf32, #tpu.memory_space<vmem_shared>> -> memref<10240x128xf32, #tpu.memory_space<vmem_shared>>
        tpu.wait_indirect_dma semaphore(%run_scoped3A_232 : memref<!tpu.dma_semaphore, #tpu.memory_space<semaphore_mem>>) src(%dma_wait3A_244 : memref<64x128xf32, #tpu.memory_space<vmem>>) dst(%dma_wait3A_250 : memref<10240x128xf32, #tpu.memory_space<vmem_shared>>)
        tpu.yield
      }) : () -> ()
      %run_scoped3A_217 = arith.constant 3 : i32
      "tpu.region"() ({
        %run_scoped3A_232 = tpu.sem_alloc : memref<!tpu.dma_semaphore, #tpu.memory_space<semaphore_mem>>
        %dma_start3A_233 = arith.constant 64 : i32
        %dma_start3A_234 = arith.constant 0 : i32
        %dma_start3A_235 = tpu.memref_slice %arg11[%dma_start3A_233, %dma_start3A_234] : memref<128x128xf32, #tpu.memory_space<vmem>> -> memref<64x128xf32, #tpu.memory_space<vmem>>
        %dma_start3A_236 = arith.constant 0 : i32
        %dma_start3A_237 = tpu.memref_slice %arg9[%run_scoped3A_217, %dma_start3A_236] : memref<4x64xi32, #tpu.memory_space<vmem>> -> memref<1x64xi32, #tpu.memory_space<vmem>>
        %dma_start3A_238 = tpu.memref_squeeze %dma_start3A_237 : memref<1x64xi32, #tpu.memory_space<vmem>> -> memref<64xi32, #tpu.memory_space<vmem>>
        %dma_start3A_239 = arith.constant 0 : i32
        %dma_start3A_240 = arith.constant 0 : i32
        %dma_start3A_241 = tpu.memref_slice %arg12[%dma_start3A_239, %dma_start3A_240] : memref<10240x128xf32, #tpu.memory_space<vmem_shared>> -> memref<10240x128xf32, #tpu.memory_space<vmem_shared>>
        tpu.enqueue_indirect_dma source(%dma_start3A_235 : memref<64x128xf32, #tpu.memory_space<vmem>>) target(%dma_start3A_241 : memref<10240x128xf32, #tpu.memory_space<vmem_shared>>) offsets(%dma_start3A_238 : memref<64xi32, #tpu.memory_space<vmem>>) semaphore(%run_scoped3A_232 : memref<!tpu.dma_semaphore, #tpu.memory_space<semaphore_mem>>) {add = true}
        %dma_wait3A_242 = arith.constant 64 : i32
        %dma_wait3A_243 = arith.constant 0 : i32
        %dma_wait3A_244 = tpu.memref_slice %arg11[%dma_wait3A_242, %dma_wait3A_243] : memref<128x128xf32, #tpu.memory_space<vmem>> -> memref<64x128xf32, #tpu.memory_space<vmem>>
        %dma_wait3A_245 = arith.constant 0 : i32
        %dma_wait3A_246 = tpu.memref_slice %arg9[%run_scoped3A_217, %dma_wait3A_245] : memref<4x64xi32, #tpu.memory_space<vmem>> -> memref<1x64xi32, #tpu.memory_space<vmem>>
        %dma_wait3A_247 = tpu.memref_squeeze %dma_wait3A_246 : memref<1x64xi32, #tpu.memory_space<vmem>> -> memref<64xi32, #tpu.memory_space<vmem>>
        %dma_wait3A_248 = arith.constant 0 : i32
        %dma_wait3A_249 = arith.constant 0 : i32
        %dma_wait3A_250 = tpu.memref_slice %arg12[%dma_wait3A_248, %dma_wait3A_249] : memref<10240x128xf32, #tpu.memory_space<vmem_shared>> -> memref<10240x128xf32, #tpu.memory_space<vmem_shared>>
        tpu.wait_indirect_dma semaphore(%run_scoped3A_232 : memref<!tpu.dma_semaphore, #tpu.memory_space<semaphore_mem>>) src(%dma_wait3A_244 : memref<64x128xf32, #tpu.memory_space<vmem>>) dst(%dma_wait3A_250 : memref<10240x128xf32, #tpu.memory_space<vmem_shared>>)
        tpu.yield
      }) : () -> ()
      %add3A_218 = arith.constant 3 : i32
      %add3A_219 = arith.addi %add3A_195, %add3A_218 : i32
      %lt3A_220 = arith.constant 80 : i32
      %lt3A_221 = arith.cmpi slt, %add3A_219, %lt3A_220 : i32
      %convert_element_type3A_222 = arith.extui %lt3A_221 : i1 to i32
      %cond3A_223 = arith.constant 0 : i32
      %cond3A_224 = arith.cmpi ne, %convert_element_type3A_222, %cond3A_223 : i32
      scf.if %cond3A_224 {
        %add3A_232 = arith.constant 3 : i32
        %add3A_233 = arith.addi %add3A_195, %add3A_232 : i32
        %mul3A_234 = arith.constant 80 : i32
        %mul3A_235 = arith.muli %add3A, %mul3A_234 : i32
        %add3A_236 = arith.addi %mul3A_235, %add3A_233 : i32
        %dma_start3A_237 = arith.constant 0 : i32
        %dma_start3A_238 = arith.constant 0 : i32
        %dma_start3A_239 = tpu.memref_slice %arg3[%add3A_236, %dma_start3A_237, %dma_start3A_238] : memref<2560x4x64xi32, #tpu.memory_space<hbm>> -> memref<1x4x64xi32, #tpu.memory_space<hbm>>
        %dma_start3A_240 = tpu.memref_squeeze %dma_start3A_239 : memref<1x4x64xi32, #tpu.memory_space<hbm>> -> memref<4x64xi32, #tpu.memory_space<hbm>>
        %dma_start3A_241 = arith.constant 0 : i32
        %dma_start3A_242 = arith.constant 0 : i32
        %dma_start3A_243 = tpu.memref_slice %arg3[%add3A_236, %dma_start3A_241, %dma_start3A_242] : memref<2560x4x64xi32, #tpu.memory_space<hbm>> -> memref<1x4x64xi32, #tpu.memory_space<hbm>>
        %dma_start3A_244 = tpu.memref_squeeze %dma_start3A_243 : memref<1x4x64xi32, #tpu.memory_space<hbm>> -> memref<4x64xi32, #tpu.memory_space<hbm>>
        tpu.enqueue_dma source(%dma_start3A_244 : memref<4x64xi32, #tpu.memory_space<hbm>>) target(%arg8 : memref<4x64xi32, #tpu.memory_space<vmem>>) target_semaphore(%arg15 : memref<!tpu.dma_semaphore, #tpu.memory_space<semaphore_mem>>)
      } else {
      }
      %add3A_225 = arith.constant 1 : i32
      %add3A_226 = arith.addi %add3A_195, %add3A_225 : i32
      %lt3A_227 = arith.constant 80 : i32
      %lt3A_228 = arith.cmpi slt, %add3A_226, %lt3A_227 : i32
      %convert_element_type3A_229 = arith.extui %lt3A_228 : i1 to i32
      %cond3A_230 = arith.constant 0 : i32
      %cond3A_231 = arith.cmpi ne, %convert_element_type3A_229, %cond3A_230 : i32
      scf.if %cond3A_231 {
        %add3A_232 = arith.constant 1 : i32
        %add3A_233 = arith.addi %add3A_195, %add3A_232 : i32
        %mul3A_234 = arith.constant 80 : i32
        %mul3A_235 = arith.muli %add3A, %mul3A_234 : i32
        %add3A_236 = arith.addi %mul3A_235, %add3A_233 : i32
        %dma_wait3A_237 = arith.constant 0 : i32
        %dma_wait3A_238 = arith.constant 0 : i32
        %dma_wait3A_239 = tpu.memref_slice %arg3[%add3A_236, %dma_wait3A_237, %dma_wait3A_238] : memref<2560x4x64xi32, #tpu.memory_space<hbm>> -> memref<1x4x64xi32, #tpu.memory_space<hbm>>
        %dma_wait3A_240 = tpu.memref_squeeze %dma_wait3A_239 : memref<1x4x64xi32, #tpu.memory_space<hbm>> -> memref<4x64xi32, #tpu.memory_space<hbm>>
        %dma_wait3A_241 = arith.constant 0 : i32
        %dma_wait3A_242 = arith.constant 0 : i32
        %dma_wait3A_243 = tpu.memref_slice %arg3[%add3A_236, %dma_wait3A_241, %dma_wait3A_242] : memref<2560x4x64xi32, #tpu.memory_space<hbm>> -> memref<1x4x64xi32, #tpu.memory_space<hbm>>
        %dma_wait3A_244 = tpu.memref_squeeze %dma_wait3A_243 : memref<1x4x64xi32, #tpu.memory_space<hbm>> -> memref<4x64xi32, #tpu.memory_space<hbm>>
        tpu.wait_dma2 semaphore(%arg13 : memref<!tpu.dma_semaphore, #tpu.memory_space<semaphore_mem>>) src(%dma_wait3A_244 : memref<4x64xi32, #tpu.memory_space<hbm>>) dst(%arg6 : memref<4x64xi32, #tpu.memory_space<vmem>>)
        %dma_start3A_245 = arith.constant 0 : i32
        %dma_start3A_246 = arith.constant 0 : i32
        %dma_start3A_247 = arith.constant 0 : i32
        %dma_start3A_248 = tpu.memref_slice %arg10[%dma_start3A_246, %dma_start3A_247] : memref<128x128xf32, #tpu.memory_space<vmem>> -> memref<64x128xf32, #tpu.memory_space<vmem>>
        %dma_start3A_249 = arith.constant 0 : i32
        %dma_start3A_250 = tpu.memref_slice %arg6[%dma_start3A_245, %dma_start3A_249] : memref<4x64xi32, #tpu.memory_space<vmem>> -> memref<1x64xi32, #tpu.memory_space<vmem>>
        %dma_start3A_251 = tpu.memref_squeeze %dma_start3A_250 : memref<1x64xi32, #tpu.memory_space<vmem>> -> memref<64xi32, #tpu.memory_space<vmem>>
        %dma_start3A_252 = arith.constant 0 : i32
        %dma_start3A_253 = arith.constant 0 : i32
        %dma_start3A_254 = tpu.memref_slice %arg2[%dma_start3A_252, %dma_start3A_253] : memref<10240x128xf32, #tpu.memory_space<hbm>> -> memref<10240x128xf32, #tpu.memory_space<hbm>>
        tpu.enqueue_indirect_dma source(%dma_start3A_254 : memref<10240x128xf32, #tpu.memory_space<hbm>>) target(%dma_start3A_248 : memref<64x128xf32, #tpu.memory_space<vmem>>) offsets(%dma_start3A_251 : memref<64xi32, #tpu.memory_space<vmem>>) semaphore(%arg17 : memref<!tpu.dma_semaphore, #tpu.memory_space<semaphore_mem>>)
        %dma_start3A_255 = arith.constant 1 : i32
        %dma_start3A_256 = arith.constant 64 : i32
        %dma_start3A_257 = arith.constant 0 : i32
        %dma_start3A_258 = tpu.memref_slice %arg10[%dma_start3A_256, %dma_start3A_257] : memref<128x128xf32, #tpu.memory_space<vmem>> -> memref<64x128xf32, #tpu.memory_space<vmem>>
        %dma_start3A_259 = arith.constant 0 : i32
        %dma_start3A_260 = tpu.memref_slice %arg6[%dma_start3A_255, %dma_start3A_259] : memref<4x64xi32, #tpu.memory_space<vmem>> -> memref<1x64xi32, #tpu.memory_space<vmem>>
        %dma_start3A_261 = tpu.memref_squeeze %dma_start3A_260 : memref<1x64xi32, #tpu.memory_space<vmem>> -> memref<64xi32, #tpu.memory_space<vmem>>
        %dma_start3A_262 = arith.constant 0 : i32
        %dma_start3A_263 = arith.constant 0 : i32
        %dma_start3A_264 = tpu.memref_slice %arg2[%dma_start3A_262, %dma_start3A_263] : memref<10240x128xf32, #tpu.memory_space<hbm>> -> memref<10240x128xf32, #tpu.memory_space<hbm>>
        tpu.enqueue_indirect_dma source(%dma_start3A_264 : memref<10240x128xf32, #tpu.memory_space<hbm>>) target(%dma_start3A_258 : memref<64x128xf32, #tpu.memory_space<vmem>>) offsets(%dma_start3A_261 : memref<64xi32, #tpu.memory_space<vmem>>) semaphore(%arg17 : memref<!tpu.dma_semaphore, #tpu.memory_space<semaphore_mem>>)
      } else {
      }
    }
    %scan3A_73 = arith.constant 20 : i32
    %barrier3A_74 = arith.constant 0 : index
    tpu.barrier barrier_id(%barrier3A_74)
    "tpu.region"() ({
      %run_scoped3A = tpu.sem_alloc : memref<!tpu.dma_semaphore, #tpu.memory_space<semaphore_mem>>
      %dma_start3A_75 = arith.constant 0 : i32
      %dma_start3A_76 = tpu.memref_slice %arg5[%arg0, %mul3A_2, %dma_start3A_75] : memref<2x10240x128xf32, #tpu.memory_space<hbm>> -> memref<1x640x128xf32, #tpu.memory_space<hbm>>
      %dma_start3A_77 = tpu.memref_squeeze %dma_start3A_76 : memref<1x640x128xf32, #tpu.memory_space<hbm>> -> memref<640x128xf32, #tpu.memory_space<hbm>>
      %dma_start3A_78 = arith.constant 0 : i32
      %dma_start3A_79 = tpu.memref_slice %arg12[%mul3A_2, %dma_start3A_78] : memref<10240x128xf32, #tpu.memory_space<vmem_shared>> -> memref<640x128xf32, #tpu.memory_space<vmem_shared>>
      tpu.enqueue_dma source(%dma_start3A_79 : memref<640x128xf32, #tpu.memory_space<vmem_shared>>) target(%dma_start3A_77 : memref<640x128xf32, #tpu.memory_space<hbm>>) target_semaphore(%run_scoped3A : memref<!tpu.dma_semaphore, #tpu.memory_space<semaphore_mem>>)
      %dma_wait3A_80 = arith.constant 0 : i32
      %dma_wait3A_81 = tpu.memref_slice %arg5[%arg0, %mul3A_2, %dma_wait3A_80] : memref<2x10240x128xf32, #tpu.memory_space<hbm>> -> memref<1x640x128xf32, #tpu.memory_space<hbm>>
      %dma_wait3A_82 = tpu.memref_squeeze %dma_wait3A_81 : memref<1x640x128xf32, #tpu.memory_space<hbm>> -> memref<640x128xf32, #tpu.memory_space<hbm>>
      %dma_wait3A_83 = arith.constant 0 : i32
      %dma_wait3A_84 = tpu.memref_slice %arg12[%mul3A_2, %dma_wait3A_83] : memref<10240x128xf32, #tpu.memory_space<vmem_shared>> -> memref<640x128xf32, #tpu.memory_space<vmem_shared>>
      tpu.wait_dma2 semaphore(%run_scoped3A : memref<!tpu.dma_semaphore, #tpu.memory_space<semaphore_mem>>) src(%dma_wait3A_84 : memref<640x128xf32, #tpu.memory_space<vmem_shared>>) dst(%dma_wait3A_82 : memref<640x128xf32, #tpu.memory_space<hbm>>)
      tpu.yield
    }) : () -> ()
    return
  }
}

#map = affine_map<(d0, d1) -> (0, 0)>
#map1 = affine_map<(d0, d1) -> (0, 0, 0)>
module attributes {stable_mosaic.version = 14 : i64} {
  func.func @_spmm_body(%arg0: i32, %arg1: i32, %arg2: memref<10240x128xf32, #tpu.memory_space<hbm>>, %arg3: memref<2560x4x64xi32, #tpu.memory_space<hbm>>, %arg4: memref<640x128xf32, #tpu.memory_space<hbm>>, %arg5: memref<2x10240x128xf32, #tpu.memory_space<hbm>>, %arg6: memref<4x64xi32, #tpu.memory_space<vmem>>, %arg7: memref<4x64xi32, #tpu.memory_space<vmem>>, %arg8: memref<4x64xi32, #tpu.memory_space<vmem>>, %arg9: memref<4x64xi32, #tpu.memory_space<vmem>>, %arg10: memref<128x128xf32, #tpu.memory_space<vmem>>, %arg11: memref<128x128xf32, #tpu.memory_space<vmem>>, %arg12: memref<10240x128xf32, #tpu.memory_space<vmem_shared>>, %arg13: memref<!tpu.dma_semaphore, #tpu.memory_space<semaphore_mem>>, %arg14: memref<!tpu.dma_semaphore, #tpu.memory_space<semaphore_mem>>, %arg15: memref<!tpu.dma_semaphore, #tpu.memory_space<semaphore_mem>>, %arg16: memref<!tpu.dma_semaphore, #tpu.memory_space<semaphore_mem>>, %arg17: memref<!tpu.dma_semaphore, #tpu.memory_space<semaphore_mem>>, %arg18: memref<!tpu.dma_semaphore, #tpu.memory_space<semaphore_mem>>) attributes {dimension_semantics = [#tpu.dimension_semantics<core_parallel>, #tpu.dimension_semantics<subcore_parallel>], iteration_bounds = array<i64: 2, 16>, scalar_prefetch = 0 : i64, scratch_operands = 13 : i64, tpu.core_type = #tpu.core_type<sc_vector_subcore>, window_params = [{transform_indices = #map}, {transform_indices = #map1}, {transform_indices = #map}, {transform_indices = #map1}]} {
    %mul3A = arith.constant 16 : i32
    %mul3A_0 = arith.muli %arg0, %mul3A : i32
    %add3A = arith.addi %mul3A_0, %arg1 : i32
    %mul3A_1 = arith.constant 640 : i32
    %mul3A_2 = arith.muli %arg1, %mul3A_1 : i32
    "tpu.region"() ({
      %run_scoped3A = tpu.sem_alloc : memref<!tpu.dma_semaphore, #tpu.memory_space<semaphore_mem>>
      %dma_start3A_75 = arith.constant 0 : i32
      %dma_start3A_76 = tpu.memref_slice %arg12[%mul3A_2, %dma_start3A_75] : memref<10240x128xf32, #tpu.memory_space<vmem_shared>> -> memref<640x128xf32, #tpu.memory_space<vmem_shared>>
      tpu.enqueue_dma source(%arg4 : memref<640x128xf32, #tpu.memory_space<hbm>>) target(%dma_start3A_76 : memref<640x128xf32, #tpu.memory_space<vmem_shared>>) target_semaphore(%run_scoped3A : memref<!tpu.dma_semaphore, #tpu.memory_space<semaphore_mem>>)
      %dma_wait3A_77 = arith.constant 0 : i32
      %dma_wait3A_78 = tpu.memref_slice %arg12[%mul3A_2, %dma_wait3A_77] : memref<10240x128xf32, #tpu.memory_space<vmem_shared>> -> memref<640x128xf32, #tpu.memory_space<vmem_shared>>
      tpu.wait_dma2 semaphore(%run_scoped3A : memref<!tpu.dma_semaphore, #tpu.memory_space<semaphore_mem>>) src(%arg4 : memref<640x128xf32, #tpu.memory_space<hbm>>) dst(%dma_wait3A_78 : memref<640x128xf32, #tpu.memory_space<vmem_shared>>)
      tpu.yield
    }) : () -> ()
    %barrier3A = arith.constant 0 : index
    tpu.barrier barrier_id(%barrier3A)
    %mul3A_3 = arith.constant 80 : i32
    %mul3A_4 = arith.muli %add3A, %mul3A_3 : i32
    %add3A_5 = arith.constant 0 : i32
    %add3A_6 = arith.addi %mul3A_4, %add3A_5 : i32
    %dma_start3A = arith.constant 0 : i32
    %dma_start3A_7 = arith.constant 0 : i32
    %dma_start3A_8 = tpu.memref_slice %arg3[%add3A_6, %dma_start3A, %dma_start3A_7] : memref<2560x4x64xi32, #tpu.memory_space<hbm>> -> memref<1x4x64xi32, #tpu.memory_space<hbm>>
    %dma_start3A_9 = tpu.memref_squeeze %dma_start3A_8 : memref<1x4x64xi32, #tpu.memory_space<hbm>> -> memref<4x64xi32, #tpu.memory_space<hbm>>
    %dma_start3A_10 = arith.constant 0 : i32
    %dma_start3A_11 = arith.constant 0 : i32
    %dma_start3A_12 = tpu.memref_slice %arg3[%add3A_6, %dma_start3A_10, %dma_start3A_11] : memref<2560x4x64xi32, #tpu.memory_space<hbm>> -> memref<1x4x64xi32, #tpu.memory_space<hbm>>
    %dma_start3A_13 = tpu.memref_squeeze %dma_start3A_12 : memref<1x4x64xi32, #tpu.memory_space<hbm>> -> memref<4x64xi32, #tpu.memory_space<hbm>>
    tpu.enqueue_dma source(%dma_start3A_13 : memref<4x64xi32, #tpu.memory_space<hbm>>) target(%arg6 : memref<4x64xi32, #tpu.memory_space<vmem>>) target_semaphore(%arg13 : memref<!tpu.dma_semaphore, #tpu.memory_space<semaphore_mem>>)
    %mul3A_14 = arith.constant 80 : i32
    %mul3A_15 = arith.muli %add3A, %mul3A_14 : i32
    %add3A_16 = arith.constant 1 : i32
    %add3A_17 = arith.addi %mul3A_15, %add3A_16 : i32
    %dma_start3A_18 = arith.constant 0 : i32
    %dma_start3A_19 = arith.constant 0 : i32
    %dma_start3A_20 = tpu.memref_slice %arg3[%add3A_17, %dma_start3A_18, %dma_start3A_19] : memref<2560x4x64xi32, #tpu.memory_space<hbm>> -> memref<1x4x64xi32, #tpu.memory_space<hbm>>
    %dma_start3A_21 = tpu.memref_squeeze %dma_start3A_20 : memref<1x4x64xi32, #tpu.memory_space<hbm>> -> memref<4x64xi32, #tpu.memory_space<hbm>>
    %dma_start3A_22 = arith.constant 0 : i32
    %dma_start3A_23 = arith.constant 0 : i32
    %dma_start3A_24 = tpu.memref_slice %arg3[%add3A_17, %dma_start3A_22, %dma_start3A_23] : memref<2560x4x64xi32, #tpu.memory_space<hbm>> -> memref<1x4x64xi32, #tpu.memory_space<hbm>>
    %dma_start3A_25 = tpu.memref_squeeze %dma_start3A_24 : memref<1x4x64xi32, #tpu.memory_space<hbm>> -> memref<4x64xi32, #tpu.memory_space<hbm>>
    tpu.enqueue_dma source(%dma_start3A_25 : memref<4x64xi32, #tpu.memory_space<hbm>>) target(%arg7 : memref<4x64xi32, #tpu.memory_space<vmem>>) target_semaphore(%arg14 : memref<!tpu.dma_semaphore, #tpu.memory_space<semaphore_mem>>)
    %mul3A_26 = arith.constant 80 : i32
    %mul3A_27 = arith.muli %add3A, %mul3A_26 : i32
    %add3A_28 = arith.constant 2 : i32
    %add3A_29 = arith.addi %mul3A_27, %add3A_28 : i32
    %dma_start3A_30 = arith.constant 0 : i32
    %dma_start3A_31 = arith.constant 0 : i32
    %dma_start3A_32 = tpu.memref_slice %arg3[%add3A_29, %dma_start3A_30, %dma_start3A_31] : memref<2560x4x64xi32, #tpu.memory_space<hbm>> -> memref<1x4x64xi32, #tpu.memory_space<hbm>>
    %dma_start3A_33 = tpu.memref_squeeze %dma_start3A_32 : memref<1x4x64xi32, #tpu.memory_space<hbm>> -> memref<4x64xi32, #tpu.memory_space<hbm>>
    %dma_start3A_34 = arith.constant 0 : i32
    %dma_start3A_35 = arith.constant 0 : i32
    %dma_start3A_36 = tpu.memref_slice %arg3[%add3A_29, %dma_start3A_34, %dma_start3A_35] : memref<2560x4x64xi32, #tpu.memory_space<hbm>> -> memref<1x4x64xi32, #tpu.memory_space<hbm>>
    %dma_start3A_37 = tpu.memref_squeeze %dma_start3A_36 : memref<1x4x64xi32, #tpu.memory_space<hbm>> -> memref<4x64xi32, #tpu.memory_space<hbm>>
    tpu.enqueue_dma source(%dma_start3A_37 : memref<4x64xi32, #tpu.memory_space<hbm>>) target(%arg8 : memref<4x64xi32, #tpu.memory_space<vmem>>) target_semaphore(%arg15 : memref<!tpu.dma_semaphore, #tpu.memory_space<semaphore_mem>>)
    %mul3A_38 = arith.constant 80 : i32
    %mul3A_39 = arith.muli %add3A, %mul3A_38 : i32
    %add3A_40 = arith.constant 0 : i32
    %add3A_41 = arith.addi %mul3A_39, %add3A_40 : i32
    %dma_wait3A = arith.constant 0 : i32
    %dma_wait3A_42 = arith.constant 0 : i32
    %dma_wait3A_43 = tpu.memref_slice %arg3[%add3A_41, %dma_wait3A, %dma_wait3A_42] : memref<2560x4x64xi32, #tpu.memory_space<hbm>> -> memref<1x4x64xi32, #tpu.memory_space<hbm>>
    %dma_wait3A_44 = tpu.memref_squeeze %dma_wait3A_43 : memref<1x4x64xi32, #tpu.memory_space<hbm>> -> memref<4x64xi32, #tpu.memory_space<hbm>>
    %dma_wait3A_45 = arith.constant 0 : i32
    %dma_wait3A_46 = arith.constant 0 : i32
    %dma_wait3A_47 = tpu.memref_slice %arg3[%add3A_41, %dma_wait3A_45, %dma_wait3A_46] : memref<2560x4x64xi32, #tpu.memory_space<hbm>> -> memref<1x4x64xi32, #tpu.memory_space<hbm>>
    %dma_wait3A_48 = tpu.memref_squeeze %dma_wait3A_47 : memref<1x4x64xi32, #tpu.memory_space<hbm>> -> memref<4x64xi32, #tpu.memory_space<hbm>>
    tpu.wait_dma2 semaphore(%arg13 : memref<!tpu.dma_semaphore, #tpu.memory_space<semaphore_mem>>) src(%dma_wait3A_48 : memref<4x64xi32, #tpu.memory_space<hbm>>) dst(%arg6 : memref<4x64xi32, #tpu.memory_space<vmem>>)
    %dma_start3A_49 = arith.constant 0 : i32
    %dma_start3A_50 = arith.constant 0 : i32
    %dma_start3A_51 = arith.constant 0 : i32
    %dma_start3A_52 = tpu.memref_slice %arg10[%dma_start3A_50, %dma_start3A_51] : memref<128x128xf32, #tpu.memory_space<vmem>> -> memref<64x128xf32, #tpu.memory_space<vmem>>
    %dma_start3A_53 = arith.constant 0 : i32
    %dma_start3A_54 = tpu.memref_slice %arg6[%dma_start3A_49, %dma_start3A_53] : memref<4x64xi32, #tpu.memory_space<vmem>> -> memref<1x64xi32, #tpu.memory_space<vmem>>
    %dma_start3A_55 = tpu.memref_squeeze %dma_start3A_54 : memref<1x64xi32, #tpu.memory_space<vmem>> -> memref<64xi32, #tpu.memory_space<vmem>>
    %dma_start3A_56 = arith.constant 0 : i32
    %dma_start3A_57 = arith.constant 0 : i32
    %dma_start3A_58 = tpu.memref_slice %arg2[%dma_start3A_56, %dma_start3A_57] : memref<10240x128xf32, #tpu.memory_space<hbm>> -> memref<10240x128xf32, #tpu.memory_space<hbm>>
    tpu.enqueue_indirect_dma source(%dma_start3A_58 : memref<10240x128xf32, #tpu.memory_space<hbm>>) target(%dma_start3A_52 : memref<64x128xf32, #tpu.memory_space<vmem>>) offsets(%dma_start3A_55 : memref<64xi32, #tpu.memory_space<vmem>>) semaphore(%arg17 : memref<!tpu.dma_semaphore, #tpu.memory_space<semaphore_mem>>)
    %dma_start3A_59 = arith.constant 1 : i32
    %dma_start3A_60 = arith.constant 64 : i32
    %dma_start3A_61 = arith.constant 0 : i32
    %dma_start3A_62 = tpu.memref_slice %arg10[%dma_start3A_60, %dma_start3A_61] : memref<128x128xf32, #tpu.memory_space<vmem>> -> memref<64x128xf32, #tpu.memory_space<vmem>>
    %dma_start3A_63 = arith.constant 0 : i32
    %dma_start3A_64 = tpu.memref_slice %arg6[%dma_start3A_59, %dma_start3A_63] : memref<4x64xi32, #tpu.memory_space<vmem>> -> memref<1x64xi32, #tpu.memory_space<vmem>>
    %dma_start3A_65 = tpu.memref_squeeze %dma_start3A_64 : memref<1x64xi32, #tpu.memory_space<vmem>> -> memref<64xi32, #tpu.memory_space<vmem>>
    %dma_start3A_66 = arith.constant 0 : i32
    %dma_start3A_67 = arith.constant 0 : i32
    %dma_start3A_68 = tpu.memref_slice %arg2[%dma_start3A_66, %dma_start3A_67] : memref<10240x128xf32, #tpu.memory_space<hbm>> -> memref<10240x128xf32, #tpu.memory_space<hbm>>
    tpu.enqueue_indirect_dma source(%dma_start3A_68 : memref<10240x128xf32, #tpu.memory_space<hbm>>) target(%dma_start3A_62 : memref<64x128xf32, #tpu.memory_space<vmem>>) offsets(%dma_start3A_65 : memref<64xi32, #tpu.memory_space<vmem>>) semaphore(%arg17 : memref<!tpu.dma_semaphore, #tpu.memory_space<semaphore_mem>>)
    %scan3A = arith.constant 0 : i32
    %scan3A_69 = arith.constant 0 : i32
    %scan3A_70 = arith.constant 20 : i32
    %scan3A_71 = arith.addi %scan3A_69, %scan3A_70 : i32
    %scan3A_72 = arith.constant 1 : i32
    scf.for %scan3A_75 = %scan3A_69 to %scan3A_71 step %scan3A_72  : i32 {
      %mul3A_76 = arith.constant 4 : i32
      %mul3A_77 = arith.muli %scan3A_75, %mul3A_76 : i32
      %add3A_78 = arith.constant 0 : i32
      %add3A_79 = arith.addi %mul3A_77, %add3A_78 : i32
      %dma_wait3A_80 = arith.constant 0 : i32
      %dma_wait3A_81 = arith.constant 0 : i32
      %dma_wait3A_82 = arith.constant 0 : i32
      %dma_wait3A_83 = tpu.memref_slice %arg10[%dma_wait3A_81, %dma_wait3A_82] : memref<128x128xf32, #tpu.memory_space<vmem>> -> memref<64x128xf32, #tpu.memory_space<vmem>>
      %dma_wait3A_84 = arith.constant 0 : i32
      %dma_wait3A_85 = tpu.memref_slice %arg6[%dma_wait3A_80, %dma_wait3A_84] : memref<4x64xi32, #tpu.memory_space<vmem>> -> memref<1x64xi32, #tpu.memory_space<vmem>>
      %dma_wait3A_86 = tpu.memref_squeeze %dma_wait3A_85 : memref<1x64xi32, #tpu.memory_space<vmem>> -> memref<64xi32, #tpu.memory_space<vmem>>
      %dma_wait3A_87 = arith.constant 0 : i32
      %dma_wait3A_88 = arith.constant 0 : i32
      %dma_wait3A_89 = tpu.memref_slice %arg2[%dma_wait3A_87, %dma_wait3A_88] : memref<10240x128xf32, #tpu.memory_space<hbm>> -> memref<10240x128xf32, #tpu.memory_space<hbm>>
      tpu.wait_indirect_dma semaphore(%arg17 : memref<!tpu.dma_semaphore, #tpu.memory_space<semaphore_mem>>) src(%dma_wait3A_89 : memref<10240x128xf32, #tpu.memory_space<hbm>>) dst(%dma_wait3A_83 : memref<64x128xf32, #tpu.memory_space<vmem>>)
      %dma_wait3A_90 = arith.constant 1 : i32
      %dma_wait3A_91 = arith.constant 64 : i32
      %dma_wait3A_92 = arith.constant 0 : i32
      %dma_wait3A_93 = tpu.memref_slice %arg10[%dma_wait3A_91, %dma_wait3A_92] : memref<128x128xf32, #tpu.memory_space<vmem>> -> memref<64x128xf32, #tpu.memory_space<vmem>>
      %dma_wait3A_94 = arith.constant 0 : i32
      %dma_wait3A_95 = tpu.memref_slice %arg6[%dma_wait3A_90, %dma_wait3A_94] : memref<4x64xi32, #tpu.memory_space<vmem>> -> memref<1x64xi32, #tpu.memory_space<vmem>>
      %dma_wait3A_96 = tpu.memref_squeeze %dma_wait3A_95 : memref<1x64xi32, #tpu.memory_space<vmem>> -> memref<64xi32, #tpu.memory_space<vmem>>
      %dma_wait3A_97 = arith.constant 0 : i32
      %dma_wait3A_98 = arith.constant 0 : i32
      %dma_wait3A_99 = tpu.memref_slice %arg2[%dma_wait3A_97, %dma_wait3A_98] : memref<10240x128xf32, #tpu.memory_space<hbm>> -> memref<10240x128xf32, #tpu.memory_space<hbm>>
      tpu.wait_indirect_dma semaphore(%arg17 : memref<!tpu.dma_semaphore, #tpu.memory_space<semaphore_mem>>) src(%dma_wait3A_99 : memref<10240x128xf32, #tpu.memory_space<hbm>>) dst(%dma_wait3A_93 : memref<64x128xf32, #tpu.memory_space<vmem>>)
      %run_scoped3A = arith.constant 2 : i32
      "tpu.region"() ({
        %run_scoped3A_232 = tpu.sem_alloc : memref<!tpu.dma_semaphore, #tpu.memory_space<semaphore_mem>>
        %dma_start3A_233 = arith.constant 0 : i32
        %dma_start3A_234 = arith.constant 0 : i32
        %dma_start3A_235 = tpu.memref_slice %arg10[%dma_start3A_233, %dma_start3A_234] : memref<128x128xf32, #tpu.memory_space<vmem>> -> memref<64x128xf32, #tpu.memory_space<vmem>>
        %dma_start3A_236 = arith.constant 0 : i32
        %dma_start3A_237 = tpu.memref_slice %arg6[%run_scoped3A, %dma_start3A_236] : memref<4x64xi32, #tpu.memory_space<vmem>> -> memref<1x64xi32, #tpu.memory_space<vmem>>
        %dma_start3A_238 = tpu.memref_squeeze %dma_start3A_237 : memref<1x64xi32, #tpu.memory_space<vmem>> -> memref<64xi32, #tpu.memory_space<vmem>>
        %dma_start3A_239 = arith.constant 0 : i32
        %dma_start3A_240 = arith.constant 0 : i32
        %dma_start3A_241 = tpu.memref_slice %arg12[%dma_start3A_239, %dma_start3A_240] : memref<10240x128xf32, #tpu.memory_space<vmem_shared>> -> memref<10240x128xf32, #tpu.memory_space<vmem_shared>>
        tpu.enqueue_indirect_dma source(%dma_start3A_235 : memref<64x128xf32, #tpu.memory_space<vmem>>) target(%dma_start3A_241 : memref<10240x128xf32, #tpu.memory_space<vmem_shared>>) offsets(%dma_start3A_238 : memref<64xi32, #tpu.memory_space<vmem>>) semaphore(%run_scoped3A_232 : memref<!tpu.dma_semaphore, #tpu.memory_space<semaphore_mem>>) {add = true}
        %dma_wait3A_242 = arith.constant 0 : i32
        %dma_wait3A_243 = arith.constant 0 : i32
        %dma_wait3A_244 = tpu.memref_slice %arg10[%dma_wait3A_242, %dma_wait3A_243] : memref<128x128xf32, #tpu.memory_space<vmem>> -> memref<64x128xf32, #tpu.memory_space<vmem>>
        %dma_wait3A_245 = arith.constant 0 : i32
        %dma_wait3A_246 = tpu.memref_slice %arg6[%run_scoped3A, %dma_wait3A_245] : memref<4x64xi32, #tpu.memory_space<vmem>> -> memref<1x64xi32, #tpu.memory_space<vmem>>
        %dma_wait3A_247 = tpu.memref_squeeze %dma_wait3A_246 : memref<1x64xi32, #tpu.memory_space<vmem>> -> memref<64xi32, #tpu.memory_space<vmem>>
        %dma_wait3A_248 = arith.constant 0 : i32
        %dma_wait3A_249 = arith.constant 0 : i32
        %dma_wait3A_250 = tpu.memref_slice %arg12[%dma_wait3A_248, %dma_wait3A_249] : memref<10240x128xf32, #tpu.memory_space<vmem_shared>> -> memref<10240x128xf32, #tpu.memory_space<vmem_shared>>
        tpu.wait_indirect_dma semaphore(%run_scoped3A_232 : memref<!tpu.dma_semaphore, #tpu.memory_space<semaphore_mem>>) src(%dma_wait3A_244 : memref<64x128xf32, #tpu.memory_space<vmem>>) dst(%dma_wait3A_250 : memref<10240x128xf32, #tpu.memory_space<vmem_shared>>)
        tpu.yield
      }) : () -> ()
      %run_scoped3A_100 = arith.constant 3 : i32
      "tpu.region"() ({
        %run_scoped3A_232 = tpu.sem_alloc : memref<!tpu.dma_semaphore, #tpu.memory_space<semaphore_mem>>
        %dma_start3A_233 = arith.constant 64 : i32
        %dma_start3A_234 = arith.constant 0 : i32
        %dma_start3A_235 = tpu.memref_slice %arg10[%dma_start3A_233, %dma_start3A_234] : memref<128x128xf32, #tpu.memory_space<vmem>> -> memref<64x128xf32, #tpu.memory_space<vmem>>
        %dma_start3A_236 = arith.constant 0 : i32
        %dma_start3A_237 = tpu.memref_slice %arg6[%run_scoped3A_100, %dma_start3A_236] : memref<4x64xi32, #tpu.memory_space<vmem>> -> memref<1x64xi32, #tpu.memory_space<vmem>>
        %dma_start3A_238 = tpu.memref_squeeze %dma_start3A_237 : memref<1x64xi32, #tpu.memory_space<vmem>> -> memref<64xi32, #tpu.memory_space<vmem>>
        %dma_start3A_239 = arith.constant 0 : i32
        %dma_start3A_240 = arith.constant 0 : i32
        %dma_start3A_241 = tpu.memref_slice %arg12[%dma_start3A_239, %dma_start3A_240] : memref<10240x128xf32, #tpu.memory_space<vmem_shared>> -> memref<10240x128xf32, #tpu.memory_space<vmem_shared>>
        tpu.enqueue_indirect_dma source(%dma_start3A_235 : memref<64x128xf32, #tpu.memory_space<vmem>>) target(%dma_start3A_241 : memref<10240x128xf32, #tpu.memory_space<vmem_shared>>) offsets(%dma_start3A_238 : memref<64xi32, #tpu.memory_space<vmem>>) semaphore(%run_scoped3A_232 : memref<!tpu.dma_semaphore, #tpu.memory_space<semaphore_mem>>) {add = true}
        %dma_wait3A_242 = arith.constant 64 : i32
        %dma_wait3A_243 = arith.constant 0 : i32
        %dma_wait3A_244 = tpu.memref_slice %arg10[%dma_wait3A_242, %dma_wait3A_243] : memref<128x128xf32, #tpu.memory_space<vmem>> -> memref<64x128xf32, #tpu.memory_space<vmem>>
        %dma_wait3A_245 = arith.constant 0 : i32
        %dma_wait3A_246 = tpu.memref_slice %arg6[%run_scoped3A_100, %dma_wait3A_245] : memref<4x64xi32, #tpu.memory_space<vmem>> -> memref<1x64xi32, #tpu.memory_space<vmem>>
        %dma_wait3A_247 = tpu.memref_squeeze %dma_wait3A_246 : memref<1x64xi32, #tpu.memory_space<vmem>> -> memref<64xi32, #tpu.memory_space<vmem>>
        %dma_wait3A_248 = arith.constant 0 : i32
        %dma_wait3A_249 = arith.constant 0 : i32
        %dma_wait3A_250 = tpu.memref_slice %arg12[%dma_wait3A_248, %dma_wait3A_249] : memref<10240x128xf32, #tpu.memory_space<vmem_shared>> -> memref<10240x128xf32, #tpu.memory_space<vmem_shared>>
        tpu.wait_indirect_dma semaphore(%run_scoped3A_232 : memref<!tpu.dma_semaphore, #tpu.memory_space<semaphore_mem>>) src(%dma_wait3A_244 : memref<64x128xf32, #tpu.memory_space<vmem>>) dst(%dma_wait3A_250 : memref<10240x128xf32, #tpu.memory_space<vmem_shared>>)
        tpu.yield
      }) : () -> ()
      %add3A_101 = arith.constant 3 : i32
      %add3A_102 = arith.addi %add3A_79, %add3A_101 : i32
      %lt3A = arith.constant 80 : i32
      %lt3A_103 = arith.cmpi slt, %add3A_102, %lt3A : i32
      %convert_element_type3A = arith.extui %lt3A_103 : i1 to i32
      %cond3A = arith.constant 0 : i32
      %cond3A_104 = arith.cmpi ne, %convert_element_type3A, %cond3A : i32
      scf.if %cond3A_104 {
        %add3A_232 = arith.constant 3 : i32
        %add3A_233 = arith.addi %add3A_79, %add3A_232 : i32
        %mul3A_234 = arith.constant 80 : i32
        %mul3A_235 = arith.muli %add3A, %mul3A_234 : i32
        %add3A_236 = arith.addi %mul3A_235, %add3A_233 : i32
        %dma_start3A_237 = arith.constant 0 : i32
        %dma_start3A_238 = arith.constant 0 : i32
        %dma_start3A_239 = tpu.memref_slice %arg3[%add3A_236, %dma_start3A_237, %dma_start3A_238] : memref<2560x4x64xi32, #tpu.memory_space<hbm>> -> memref<1x4x64xi32, #tpu.memory_space<hbm>>
        %dma_start3A_240 = tpu.memref_squeeze %dma_start3A_239 : memref<1x4x64xi32, #tpu.memory_space<hbm>> -> memref<4x64xi32, #tpu.memory_space<hbm>>
        %dma_start3A_241 = arith.constant 0 : i32
        %dma_start3A_242 = arith.constant 0 : i32
        %dma_start3A_243 = tpu.memref_slice %arg3[%add3A_236, %dma_start3A_241, %dma_start3A_242] : memref<2560x4x64xi32, #tpu.memory_space<hbm>> -> memref<1x4x64xi32, #tpu.memory_space<hbm>>
        %dma_start3A_244 = tpu.memref_squeeze %dma_start3A_243 : memref<1x4x64xi32, #tpu.memory_space<hbm>> -> memref<4x64xi32, #tpu.memory_space<hbm>>
        tpu.enqueue_dma source(%dma_start3A_244 : memref<4x64xi32, #tpu.memory_space<hbm>>) target(%arg9 : memref<4x64xi32, #tpu.memory_space<vmem>>) target_semaphore(%arg16 : memref<!tpu.dma_semaphore, #tpu.memory_space<semaphore_mem>>)
      } else {
      }
      %add3A_105 = arith.constant 1 : i32
      %add3A_106 = arith.addi %add3A_79, %add3A_105 : i32
      %lt3A_107 = arith.constant 80 : i32
      %lt3A_108 = arith.cmpi slt, %add3A_106, %lt3A_107 : i32
      %convert_element_type3A_109 = arith.extui %lt3A_108 : i1 to i32
      %cond3A_110 = arith.constant 0 : i32
      %cond3A_111 = arith.cmpi ne, %convert_element_type3A_109, %cond3A_110 : i32
      scf.if %cond3A_111 {
        %add3A_232 = arith.constant 1 : i32
        %add3A_233 = arith.addi %add3A_79, %add3A_232 : i32
        %mul3A_234 = arith.constant 80 : i32
        %mul3A_235 = arith.muli %add3A, %mul3A_234 : i32
        %add3A_236 = arith.addi %mul3A_235, %add3A_233 : i32
        %dma_wait3A_237 = arith.constant 0 : i32
        %dma_wait3A_238 = arith.constant 0 : i32
        %dma_wait3A_239 = tpu.memref_slice %arg3[%add3A_236, %dma_wait3A_237, %dma_wait3A_238] : memref<2560x4x64xi32, #tpu.memory_space<hbm>> -> memref<1x4x64xi32, #tpu.memory_space<hbm>>
        %dma_wait3A_240 = tpu.memref_squeeze %dma_wait3A_239 : memref<1x4x64xi32, #tpu.memory_space<hbm>> -> memref<4x64xi32, #tpu.memory_space<hbm>>
        %dma_wait3A_241 = arith.constant 0 : i32
        %dma_wait3A_242 = arith.constant 0 : i32
        %dma_wait3A_243 = tpu.memref_slice %arg3[%add3A_236, %dma_wait3A_241, %dma_wait3A_242] : memref<2560x4x64xi32, #tpu.memory_space<hbm>> -> memref<1x4x64xi32, #tpu.memory_space<hbm>>
        %dma_wait3A_244 = tpu.memref_squeeze %dma_wait3A_243 : memref<1x4x64xi32, #tpu.memory_space<hbm>> -> memref<4x64xi32, #tpu.memory_space<hbm>>
        tpu.wait_dma2 semaphore(%arg14 : memref<!tpu.dma_semaphore, #tpu.memory_space<semaphore_mem>>) src(%dma_wait3A_244 : memref<4x64xi32, #tpu.memory_space<hbm>>) dst(%arg7 : memref<4x64xi32, #tpu.memory_space<vmem>>)
        %dma_start3A_245 = arith.constant 0 : i32
        %dma_start3A_246 = arith.constant 0 : i32
        %dma_start3A_247 = arith.constant 0 : i32
        %dma_start3A_248 = tpu.memref_slice %arg11[%dma_start3A_246, %dma_start3A_247] : memref<128x128xf32, #tpu.memory_space<vmem>> -> memref<64x128xf32, #tpu.memory_space<vmem>>
        %dma_start3A_249 = arith.constant 0 : i32
        %dma_start3A_250 = tpu.memref_slice %arg7[%dma_start3A_245, %dma_start3A_249] : memref<4x64xi32, #tpu.memory_space<vmem>> -> memref<1x64xi32, #tpu.memory_space<vmem>>
        %dma_start3A_251 = tpu.memref_squeeze %dma_start3A_250 : memref<1x64xi32, #tpu.memory_space<vmem>> -> memref<64xi32, #tpu.memory_space<vmem>>
        %dma_start3A_252 = arith.constant 0 : i32
        %dma_start3A_253 = arith.constant 0 : i32
        %dma_start3A_254 = tpu.memref_slice %arg2[%dma_start3A_252, %dma_start3A_253] : memref<10240x128xf32, #tpu.memory_space<hbm>> -> memref<10240x128xf32, #tpu.memory_space<hbm>>
        tpu.enqueue_indirect_dma source(%dma_start3A_254 : memref<10240x128xf32, #tpu.memory_space<hbm>>) target(%dma_start3A_248 : memref<64x128xf32, #tpu.memory_space<vmem>>) offsets(%dma_start3A_251 : memref<64xi32, #tpu.memory_space<vmem>>) semaphore(%arg18 : memref<!tpu.dma_semaphore, #tpu.memory_space<semaphore_mem>>)
        %dma_start3A_255 = arith.constant 1 : i32
        %dma_start3A_256 = arith.constant 64 : i32
        %dma_start3A_257 = arith.constant 0 : i32
        %dma_start3A_258 = tpu.memref_slice %arg11[%dma_start3A_256, %dma_start3A_257] : memref<128x128xf32, #tpu.memory_space<vmem>> -> memref<64x128xf32, #tpu.memory_space<vmem>>
        %dma_start3A_259 = arith.constant 0 : i32
        %dma_start3A_260 = tpu.memref_slice %arg7[%dma_start3A_255, %dma_start3A_259] : memref<4x64xi32, #tpu.memory_space<vmem>> -> memref<1x64xi32, #tpu.memory_space<vmem>>
        %dma_start3A_261 = tpu.memref_squeeze %dma_start3A_260 : memref<1x64xi32, #tpu.memory_space<vmem>> -> memref<64xi32, #tpu.memory_space<vmem>>
        %dma_start3A_262 = arith.constant 0 : i32
        %dma_start3A_263 = arith.constant 0 : i32
        %dma_start3A_264 = tpu.memref_slice %arg2[%dma_start3A_262, %dma_start3A_263] : memref<10240x128xf32, #tpu.memory_space<hbm>> -> memref<10240x128xf32, #tpu.memory_space<hbm>>
        tpu.enqueue_indirect_dma source(%dma_start3A_264 : memref<10240x128xf32, #tpu.memory_space<hbm>>) target(%dma_start3A_258 : memref<64x128xf32, #tpu.memory_space<vmem>>) offsets(%dma_start3A_261 : memref<64xi32, #tpu.memory_space<vmem>>) semaphore(%arg18 : memref<!tpu.dma_semaphore, #tpu.memory_space<semaphore_mem>>)
      } else {
      }
      %mul3A_112 = arith.constant 4 : i32
      %mul3A_113 = arith.muli %scan3A_75, %mul3A_112 : i32
      %add3A_114 = arith.constant 1 : i32
      %add3A_115 = arith.addi %mul3A_113, %add3A_114 : i32
      %dma_wait3A_116 = arith.constant 0 : i32
      %dma_wait3A_117 = arith.constant 0 : i32
      %dma_wait3A_118 = arith.constant 0 : i32
      %dma_wait3A_119 = tpu.memref_slice %arg11[%dma_wait3A_117, %dma_wait3A_118] : memref<128x128xf32, #tpu.memory_space<vmem>> -> memref<64x128xf32, #tpu.memory_space<vmem>>
      %dma_wait3A_120 = arith.constant 0 : i32
      %dma_wait3A_121 = tpu.memref_slice %arg7[%dma_wait3A_116, %dma_wait3A_120] : memref<4x64xi32, #tpu.memory_space<vmem>> -> memref<1x64xi32, #tpu.memory_space<vmem>>
      %dma_wait3A_122 = tpu.memref_squeeze %dma_wait3A_121 : memref<1x64xi32, #tpu.memory_space<vmem>> -> memref<64xi32, #tpu.memory_space<vmem>>
      %dma_wait3A_123 = arith.constant 0 : i32
      %dma_wait3A_124 = arith.constant 0 : i32
      %dma_wait3A_125 = tpu.memref_slice %arg2[%dma_wait3A_123, %dma_wait3A_124] : memref<10240x128xf32, #tpu.memory_space<hbm>> -> memref<10240x128xf32, #tpu.memory_space<hbm>>
      tpu.wait_indirect_dma semaphore(%arg18 : memref<!tpu.dma_semaphore, #tpu.memory_space<semaphore_mem>>) src(%dma_wait3A_125 : memref<10240x128xf32, #tpu.memory_space<hbm>>) dst(%dma_wait3A_119 : memref<64x128xf32, #tpu.memory_space<vmem>>)
      %dma_wait3A_126 = arith.constant 1 : i32
      %dma_wait3A_127 = arith.constant 64 : i32
      %dma_wait3A_128 = arith.constant 0 : i32
      %dma_wait3A_129 = tpu.memref_slice %arg11[%dma_wait3A_127, %dma_wait3A_128] : memref<128x128xf32, #tpu.memory_space<vmem>> -> memref<64x128xf32, #tpu.memory_space<vmem>>
      %dma_wait3A_130 = arith.constant 0 : i32
      %dma_wait3A_131 = tpu.memref_slice %arg7[%dma_wait3A_126, %dma_wait3A_130] : memref<4x64xi32, #tpu.memory_space<vmem>> -> memref<1x64xi32, #tpu.memory_space<vmem>>
      %dma_wait3A_132 = tpu.memref_squeeze %dma_wait3A_131 : memref<1x64xi32, #tpu.memory_space<vmem>> -> memref<64xi32, #tpu.memory_space<vmem>>
      %dma_wait3A_133 = arith.constant 0 : i32
      %dma_wait3A_134 = arith.constant 0 : i32
      %dma_wait3A_135 = tpu.memref_slice %arg2[%dma_wait3A_133, %dma_wait3A_134] : memref<10240x128xf32, #tpu.memory_space<hbm>> -> memref<10240x128xf32, #tpu.memory_space<hbm>>
      tpu.wait_indirect_dma semaphore(%arg18 : memref<!tpu.dma_semaphore, #tpu.memory_space<semaphore_mem>>) src(%dma_wait3A_135 : memref<10240x128xf32, #tpu.memory_space<hbm>>) dst(%dma_wait3A_129 : memref<64x128xf32, #tpu.memory_space<vmem>>)
      %run_scoped3A_136 = arith.constant 2 : i32
      "tpu.region"() ({
        %run_scoped3A_232 = tpu.sem_alloc : memref<!tpu.dma_semaphore, #tpu.memory_space<semaphore_mem>>
        %dma_start3A_233 = arith.constant 0 : i32
        %dma_start3A_234 = arith.constant 0 : i32
        %dma_start3A_235 = tpu.memref_slice %arg11[%dma_start3A_233, %dma_start3A_234] : memref<128x128xf32, #tpu.memory_space<vmem>> -> memref<64x128xf32, #tpu.memory_space<vmem>>
        %dma_start3A_236 = arith.constant 0 : i32
        %dma_start3A_237 = tpu.memref_slice %arg7[%run_scoped3A_136, %dma_start3A_236] : memref<4x64xi32, #tpu.memory_space<vmem>> -> memref<1x64xi32, #tpu.memory_space<vmem>>
        %dma_start3A_238 = tpu.memref_squeeze %dma_start3A_237 : memref<1x64xi32, #tpu.memory_space<vmem>> -> memref<64xi32, #tpu.memory_space<vmem>>
        %dma_start3A_239 = arith.constant 0 : i32
        %dma_start3A_240 = arith.constant 0 : i32
        %dma_start3A_241 = tpu.memref_slice %arg12[%dma_start3A_239, %dma_start3A_240] : memref<10240x128xf32, #tpu.memory_space<vmem_shared>> -> memref<10240x128xf32, #tpu.memory_space<vmem_shared>>
        tpu.enqueue_indirect_dma source(%dma_start3A_235 : memref<64x128xf32, #tpu.memory_space<vmem>>) target(%dma_start3A_241 : memref<10240x128xf32, #tpu.memory_space<vmem_shared>>) offsets(%dma_start3A_238 : memref<64xi32, #tpu.memory_space<vmem>>) semaphore(%run_scoped3A_232 : memref<!tpu.dma_semaphore, #tpu.memory_space<semaphore_mem>>) {add = true}
        %dma_wait3A_242 = arith.constant 0 : i32
        %dma_wait3A_243 = arith.constant 0 : i32
        %dma_wait3A_244 = tpu.memref_slice %arg11[%dma_wait3A_242, %dma_wait3A_243] : memref<128x128xf32, #tpu.memory_space<vmem>> -> memref<64x128xf32, #tpu.memory_space<vmem>>
        %dma_wait3A_245 = arith.constant 0 : i32
        %dma_wait3A_246 = tpu.memref_slice %arg7[%run_scoped3A_136, %dma_wait3A_245] : memref<4x64xi32, #tpu.memory_space<vmem>> -> memref<1x64xi32, #tpu.memory_space<vmem>>
        %dma_wait3A_247 = tpu.memref_squeeze %dma_wait3A_246 : memref<1x64xi32, #tpu.memory_space<vmem>> -> memref<64xi32, #tpu.memory_space<vmem>>
        %dma_wait3A_248 = arith.constant 0 : i32
        %dma_wait3A_249 = arith.constant 0 : i32
        %dma_wait3A_250 = tpu.memref_slice %arg12[%dma_wait3A_248, %dma_wait3A_249] : memref<10240x128xf32, #tpu.memory_space<vmem_shared>> -> memref<10240x128xf32, #tpu.memory_space<vmem_shared>>
        tpu.wait_indirect_dma semaphore(%run_scoped3A_232 : memref<!tpu.dma_semaphore, #tpu.memory_space<semaphore_mem>>) src(%dma_wait3A_244 : memref<64x128xf32, #tpu.memory_space<vmem>>) dst(%dma_wait3A_250 : memref<10240x128xf32, #tpu.memory_space<vmem_shared>>)
        tpu.yield
      }) : () -> ()
      %run_scoped3A_137 = arith.constant 3 : i32
      "tpu.region"() ({
        %run_scoped3A_232 = tpu.sem_alloc : memref<!tpu.dma_semaphore, #tpu.memory_space<semaphore_mem>>
        %dma_start3A_233 = arith.constant 64 : i32
        %dma_start3A_234 = arith.constant 0 : i32
        %dma_start3A_235 = tpu.memref_slice %arg11[%dma_start3A_233, %dma_start3A_234] : memref<128x128xf32, #tpu.memory_space<vmem>> -> memref<64x128xf32, #tpu.memory_space<vmem>>
        %dma_start3A_236 = arith.constant 0 : i32
        %dma_start3A_237 = tpu.memref_slice %arg7[%run_scoped3A_137, %dma_start3A_236] : memref<4x64xi32, #tpu.memory_space<vmem>> -> memref<1x64xi32, #tpu.memory_space<vmem>>
        %dma_start3A_238 = tpu.memref_squeeze %dma_start3A_237 : memref<1x64xi32, #tpu.memory_space<vmem>> -> memref<64xi32, #tpu.memory_space<vmem>>
        %dma_start3A_239 = arith.constant 0 : i32
        %dma_start3A_240 = arith.constant 0 : i32
        %dma_start3A_241 = tpu.memref_slice %arg12[%dma_start3A_239, %dma_start3A_240] : memref<10240x128xf32, #tpu.memory_space<vmem_shared>> -> memref<10240x128xf32, #tpu.memory_space<vmem_shared>>
        tpu.enqueue_indirect_dma source(%dma_start3A_235 : memref<64x128xf32, #tpu.memory_space<vmem>>) target(%dma_start3A_241 : memref<10240x128xf32, #tpu.memory_space<vmem_shared>>) offsets(%dma_start3A_238 : memref<64xi32, #tpu.memory_space<vmem>>) semaphore(%run_scoped3A_232 : memref<!tpu.dma_semaphore, #tpu.memory_space<semaphore_mem>>) {add = true}
        %dma_wait3A_242 = arith.constant 64 : i32
        %dma_wait3A_243 = arith.constant 0 : i32
        %dma_wait3A_244 = tpu.memref_slice %arg11[%dma_wait3A_242, %dma_wait3A_243] : memref<128x128xf32, #tpu.memory_space<vmem>> -> memref<64x128xf32, #tpu.memory_space<vmem>>
        %dma_wait3A_245 = arith.constant 0 : i32
        %dma_wait3A_246 = tpu.memref_slice %arg7[%run_scoped3A_137, %dma_wait3A_245] : memref<4x64xi32, #tpu.memory_space<vmem>> -> memref<1x64xi32, #tpu.memory_space<vmem>>
        %dma_wait3A_247 = tpu.memref_squeeze %dma_wait3A_246 : memref<1x64xi32, #tpu.memory_space<vmem>> -> memref<64xi32, #tpu.memory_space<vmem>>
        %dma_wait3A_248 = arith.constant 0 : i32
        %dma_wait3A_249 = arith.constant 0 : i32
        %dma_wait3A_250 = tpu.memref_slice %arg12[%dma_wait3A_248, %dma_wait3A_249] : memref<10240x128xf32, #tpu.memory_space<vmem_shared>> -> memref<10240x128xf32, #tpu.memory_space<vmem_shared>>
        tpu.wait_indirect_dma semaphore(%run_scoped3A_232 : memref<!tpu.dma_semaphore, #tpu.memory_space<semaphore_mem>>) src(%dma_wait3A_244 : memref<64x128xf32, #tpu.memory_space<vmem>>) dst(%dma_wait3A_250 : memref<10240x128xf32, #tpu.memory_space<vmem_shared>>)
        tpu.yield
      }) : () -> ()
      %add3A_138 = arith.constant 3 : i32
      %add3A_139 = arith.addi %add3A_115, %add3A_138 : i32
      %lt3A_140 = arith.constant 80 : i32
      %lt3A_141 = arith.cmpi slt, %add3A_139, %lt3A_140 : i32
      %convert_element_type3A_142 = arith.extui %lt3A_141 : i1 to i32
      %cond3A_143 = arith.constant 0 : i32
      %cond3A_144 = arith.cmpi ne, %convert_element_type3A_142, %cond3A_143 : i32
      scf.if %cond3A_144 {
        %add3A_232 = arith.constant 3 : i32
        %add3A_233 = arith.addi %add3A_115, %add3A_232 : i32
        %mul3A_234 = arith.constant 80 : i32
        %mul3A_235 = arith.muli %add3A, %mul3A_234 : i32
        %add3A_236 = arith.addi %mul3A_235, %add3A_233 : i32
        %dma_start3A_237 = arith.constant 0 : i32
        %dma_start3A_238 = arith.constant 0 : i32
        %dma_start3A_239 = tpu.memref_slice %arg3[%add3A_236, %dma_start3A_237, %dma_start3A_238] : memref<2560x4x64xi32, #tpu.memory_space<hbm>> -> memref<1x4x64xi32, #tpu.memory_space<hbm>>
        %dma_start3A_240 = tpu.memref_squeeze %dma_start3A_239 : memref<1x4x64xi32, #tpu.memory_space<hbm>> -> memref<4x64xi32, #tpu.memory_space<hbm>>
        %dma_start3A_241 = arith.constant 0 : i32
        %dma_start3A_242 = arith.constant 0 : i32
        %dma_start3A_243 = tpu.memref_slice %arg3[%add3A_236, %dma_start3A_241, %dma_start3A_242] : memref<2560x4x64xi32, #tpu.memory_space<hbm>> -> memref<1x4x64xi32, #tpu.memory_space<hbm>>
        %dma_start3A_244 = tpu.memref_squeeze %dma_start3A_243 : memref<1x4x64xi32, #tpu.memory_space<hbm>> -> memref<4x64xi32, #tpu.memory_space<hbm>>
        tpu.enqueue_dma source(%dma_start3A_244 : memref<4x64xi32, #tpu.memory_space<hbm>>) target(%arg6 : memref<4x64xi32, #tpu.memory_space<vmem>>) target_semaphore(%arg13 : memref<!tpu.dma_semaphore, #tpu.memory_space<semaphore_mem>>)
      } else {
      }
      %add3A_145 = arith.constant 1 : i32
      %add3A_146 = arith.addi %add3A_115, %add3A_145 : i32
      %lt3A_147 = arith.constant 80 : i32
      %lt3A_148 = arith.cmpi slt, %add3A_146, %lt3A_147 : i32
      %convert_element_type3A_149 = arith.extui %lt3A_148 : i1 to i32
      %cond3A_150 = arith.constant 0 : i32
      %cond3A_151 = arith.cmpi ne, %convert_element_type3A_149, %cond3A_150 : i32
      scf.if %cond3A_151 {
        %add3A_232 = arith.constant 1 : i32
        %add3A_233 = arith.addi %add3A_115, %add3A_232 : i32
        %mul3A_234 = arith.constant 80 : i32
        %mul3A_235 = arith.muli %add3A, %mul3A_234 : i32
        %add3A_236 = arith.addi %mul3A_235, %add3A_233 : i32
        %dma_wait3A_237 = arith.constant 0 : i32
        %dma_wait3A_238 = arith.constant 0 : i32
        %dma_wait3A_239 = tpu.memref_slice %arg3[%add3A_236, %dma_wait3A_237, %dma_wait3A_238] : memref<2560x4x64xi32, #tpu.memory_space<hbm>> -> memref<1x4x64xi32, #tpu.memory_space<hbm>>
        %dma_wait3A_240 = tpu.memref_squeeze %dma_wait3A_239 : memref<1x4x64xi32, #tpu.memory_space<hbm>> -> memref<4x64xi32, #tpu.memory_space<hbm>>
        %dma_wait3A_241 = arith.constant 0 : i32
        %dma_wait3A_242 = arith.constant 0 : i32
        %dma_wait3A_243 = tpu.memref_slice %arg3[%add3A_236, %dma_wait3A_241, %dma_wait3A_242] : memref<2560x4x64xi32, #tpu.memory_space<hbm>> -> memref<1x4x64xi32, #tpu.memory_space<hbm>>
        %dma_wait3A_244 = tpu.memref_squeeze %dma_wait3A_243 : memref<1x4x64xi32, #tpu.memory_space<hbm>> -> memref<4x64xi32, #tpu.memory_space<hbm>>
        tpu.wait_dma2 semaphore(%arg15 : memref<!tpu.dma_semaphore, #tpu.memory_space<semaphore_mem>>) src(%dma_wait3A_244 : memref<4x64xi32, #tpu.memory_space<hbm>>) dst(%arg8 : memref<4x64xi32, #tpu.memory_space<vmem>>)
        %dma_start3A_245 = arith.constant 0 : i32
        %dma_start3A_246 = arith.constant 0 : i32
        %dma_start3A_247 = arith.constant 0 : i32
        %dma_start3A_248 = tpu.memref_slice %arg10[%dma_start3A_246, %dma_start3A_247] : memref<128x128xf32, #tpu.memory_space<vmem>> -> memref<64x128xf32, #tpu.memory_space<vmem>>
        %dma_start3A_249 = arith.constant 0 : i32
        %dma_start3A_250 = tpu.memref_slice %arg8[%dma_start3A_245, %dma_start3A_249] : memref<4x64xi32, #tpu.memory_space<vmem>> -> memref<1x64xi32, #tpu.memory_space<vmem>>
        %dma_start3A_251 = tpu.memref_squeeze %dma_start3A_250 : memref<1x64xi32, #tpu.memory_space<vmem>> -> memref<64xi32, #tpu.memory_space<vmem>>
        %dma_start3A_252 = arith.constant 0 : i32
        %dma_start3A_253 = arith.constant 0 : i32
        %dma_start3A_254 = tpu.memref_slice %arg2[%dma_start3A_252, %dma_start3A_253] : memref<10240x128xf32, #tpu.memory_space<hbm>> -> memref<10240x128xf32, #tpu.memory_space<hbm>>
        tpu.enqueue_indirect_dma source(%dma_start3A_254 : memref<10240x128xf32, #tpu.memory_space<hbm>>) target(%dma_start3A_248 : memref<64x128xf32, #tpu.memory_space<vmem>>) offsets(%dma_start3A_251 : memref<64xi32, #tpu.memory_space<vmem>>) semaphore(%arg17 : memref<!tpu.dma_semaphore, #tpu.memory_space<semaphore_mem>>)
        %dma_start3A_255 = arith.constant 1 : i32
        %dma_start3A_256 = arith.constant 64 : i32
        %dma_start3A_257 = arith.constant 0 : i32
        %dma_start3A_258 = tpu.memref_slice %arg10[%dma_start3A_256, %dma_start3A_257] : memref<128x128xf32, #tpu.memory_space<vmem>> -> memref<64x128xf32, #tpu.memory_space<vmem>>
        %dma_start3A_259 = arith.constant 0 : i32
        %dma_start3A_260 = tpu.memref_slice %arg8[%dma_start3A_255, %dma_start3A_259] : memref<4x64xi32, #tpu.memory_space<vmem>> -> memref<1x64xi32, #tpu.memory_space<vmem>>
        %dma_start3A_261 = tpu.memref_squeeze %dma_start3A_260 : memref<1x64xi32, #tpu.memory_space<vmem>> -> memref<64xi32, #tpu.memory_space<vmem>>
        %dma_start3A_262 = arith.constant 0 : i32
        %dma_start3A_263 = arith.constant 0 : i32
        %dma_start3A_264 = tpu.memref_slice %arg2[%dma_start3A_262, %dma_start3A_263] : memref<10240x128xf32, #tpu.memory_space<hbm>> -> memref<10240x128xf32, #tpu.memory_space<hbm>>
        tpu.enqueue_indirect_dma source(%dma_start3A_264 : memref<10240x128xf32, #tpu.memory_space<hbm>>) target(%dma_start3A_258 : memref<64x128xf32, #tpu.memory_space<vmem>>) offsets(%dma_start3A_261 : memref<64xi32, #tpu.memory_space<vmem>>) semaphore(%arg17 : memref<!tpu.dma_semaphore, #tpu.memory_space<semaphore_mem>>)
      } else {
      }
      %mul3A_152 = arith.constant 4 : i32
      %mul3A_153 = arith.muli %scan3A_75, %mul3A_152 : i32
      %add3A_154 = arith.constant 2 : i32
      %add3A_155 = arith.addi %mul3A_153, %add3A_154 : i32
      %dma_wait3A_156 = arith.constant 0 : i32
      %dma_wait3A_157 = arith.constant 0 : i32
      %dma_wait3A_158 = arith.constant 0 : i32
      %dma_wait3A_159 = tpu.memref_slice %arg10[%dma_wait3A_157, %dma_wait3A_158] : memref<128x128xf32, #tpu.memory_space<vmem>> -> memref<64x128xf32, #tpu.memory_space<vmem>>
      %dma_wait3A_160 = arith.constant 0 : i32
      %dma_wait3A_161 = tpu.memref_slice %arg8[%dma_wait3A_156, %dma_wait3A_160] : memref<4x64xi32, #tpu.memory_space<vmem>> -> memref<1x64xi32, #tpu.memory_space<vmem>>
      %dma_wait3A_162 = tpu.memref_squeeze %dma_wait3A_161 : memref<1x64xi32, #tpu.memory_space<vmem>> -> memref<64xi32, #tpu.memory_space<vmem>>
      %dma_wait3A_163 = arith.constant 0 : i32
      %dma_wait3A_164 = arith.constant 0 : i32
      %dma_wait3A_165 = tpu.memref_slice %arg2[%dma_wait3A_163, %dma_wait3A_164] : memref<10240x128xf32, #tpu.memory_space<hbm>> -> memref<10240x128xf32, #tpu.memory_space<hbm>>
      tpu.wait_indirect_dma semaphore(%arg17 : memref<!tpu.dma_semaphore, #tpu.memory_space<semaphore_mem>>) src(%dma_wait3A_165 : memref<10240x128xf32, #tpu.memory_space<hbm>>) dst(%dma_wait3A_159 : memref<64x128xf32, #tpu.memory_space<vmem>>)
      %dma_wait3A_166 = arith.constant 1 : i32
      %dma_wait3A_167 = arith.constant 64 : i32
      %dma_wait3A_168 = arith.constant 0 : i32
      %dma_wait3A_169 = tpu.memref_slice %arg10[%dma_wait3A_167, %dma_wait3A_168] : memref<128x128xf32, #tpu.memory_space<vmem>> -> memref<64x128xf32, #tpu.memory_space<vmem>>
      %dma_wait3A_170 = arith.constant 0 : i32
      %dma_wait3A_171 = tpu.memref_slice %arg8[%dma_wait3A_166, %dma_wait3A_170] : memref<4x64xi32, #tpu.memory_space<vmem>> -> memref<1x64xi32, #tpu.memory_space<vmem>>
      %dma_wait3A_172 = tpu.memref_squeeze %dma_wait3A_171 : memref<1x64xi32, #tpu.memory_space<vmem>> -> memref<64xi32, #tpu.memory_space<vmem>>
      %dma_wait3A_173 = arith.constant 0 : i32
      %dma_wait3A_174 = arith.constant 0 : i32
      %dma_wait3A_175 = tpu.memref_slice %arg2[%dma_wait3A_173, %dma_wait3A_174] : memref<10240x128xf32, #tpu.memory_space<hbm>> -> memref<10240x128xf32, #tpu.memory_space<hbm>>
      tpu.wait_indirect_dma semaphore(%arg17 : memref<!tpu.dma_semaphore, #tpu.memory_space<semaphore_mem>>) src(%dma_wait3A_175 : memref<10240x128xf32, #tpu.memory_space<hbm>>) dst(%dma_wait3A_169 : memref<64x128xf32, #tpu.memory_space<vmem>>)
      %run_scoped3A_176 = arith.constant 2 : i32
      "tpu.region"() ({
        %run_scoped3A_232 = tpu.sem_alloc : memref<!tpu.dma_semaphore, #tpu.memory_space<semaphore_mem>>
        %dma_start3A_233 = arith.constant 0 : i32
        %dma_start3A_234 = arith.constant 0 : i32
        %dma_start3A_235 = tpu.memref_slice %arg10[%dma_start3A_233, %dma_start3A_234] : memref<128x128xf32, #tpu.memory_space<vmem>> -> memref<64x128xf32, #tpu.memory_space<vmem>>
        %dma_start3A_236 = arith.constant 0 : i32
        %dma_start3A_237 = tpu.memref_slice %arg8[%run_scoped3A_176, %dma_start3A_236] : memref<4x64xi32, #tpu.memory_space<vmem>> -> memref<1x64xi32, #tpu.memory_space<vmem>>
        %dma_start3A_238 = tpu.memref_squeeze %dma_start3A_237 : memref<1x64xi32, #tpu.memory_space<vmem>> -> memref<64xi32, #tpu.memory_space<vmem>>
        %dma_start3A_239 = arith.constant 0 : i32
        %dma_start3A_240 = arith.constant 0 : i32
        %dma_start3A_241 = tpu.memref_slice %arg12[%dma_start3A_239, %dma_start3A_240] : memref<10240x128xf32, #tpu.memory_space<vmem_shared>> -> memref<10240x128xf32, #tpu.memory_space<vmem_shared>>
        tpu.enqueue_indirect_dma source(%dma_start3A_235 : memref<64x128xf32, #tpu.memory_space<vmem>>) target(%dma_start3A_241 : memref<10240x128xf32, #tpu.memory_space<vmem_shared>>) offsets(%dma_start3A_238 : memref<64xi32, #tpu.memory_space<vmem>>) semaphore(%run_scoped3A_232 : memref<!tpu.dma_semaphore, #tpu.memory_space<semaphore_mem>>) {add = true}
        %dma_wait3A_242 = arith.constant 0 : i32
        %dma_wait3A_243 = arith.constant 0 : i32
        %dma_wait3A_244 = tpu.memref_slice %arg10[%dma_wait3A_242, %dma_wait3A_243] : memref<128x128xf32, #tpu.memory_space<vmem>> -> memref<64x128xf32, #tpu.memory_space<vmem>>
        %dma_wait3A_245 = arith.constant 0 : i32
        %dma_wait3A_246 = tpu.memref_slice %arg8[%run_scoped3A_176, %dma_wait3A_245] : memref<4x64xi32, #tpu.memory_space<vmem>> -> memref<1x64xi32, #tpu.memory_space<vmem>>
        %dma_wait3A_247 = tpu.memref_squeeze %dma_wait3A_246 : memref<1x64xi32, #tpu.memory_space<vmem>> -> memref<64xi32, #tpu.memory_space<vmem>>
        %dma_wait3A_248 = arith.constant 0 : i32
        %dma_wait3A_249 = arith.constant 0 : i32
        %dma_wait3A_250 = tpu.memref_slice %arg12[%dma_wait3A_248, %dma_wait3A_249] : memref<10240x128xf32, #tpu.memory_space<vmem_shared>> -> memref<10240x128xf32, #tpu.memory_space<vmem_shared>>
        tpu.wait_indirect_dma semaphore(%run_scoped3A_232 : memref<!tpu.dma_semaphore, #tpu.memory_space<semaphore_mem>>) src(%dma_wait3A_244 : memref<64x128xf32, #tpu.memory_space<vmem>>) dst(%dma_wait3A_250 : memref<10240x128xf32, #tpu.memory_space<vmem_shared>>)
        tpu.yield
      }) : () -> ()
      %run_scoped3A_177 = arith.constant 3 : i32
      "tpu.region"() ({
        %run_scoped3A_232 = tpu.sem_alloc : memref<!tpu.dma_semaphore, #tpu.memory_space<semaphore_mem>>
        %dma_start3A_233 = arith.constant 64 : i32
        %dma_start3A_234 = arith.constant 0 : i32
        %dma_start3A_235 = tpu.memref_slice %arg10[%dma_start3A_233, %dma_start3A_234] : memref<128x128xf32, #tpu.memory_space<vmem>> -> memref<64x128xf32, #tpu.memory_space<vmem>>
        %dma_start3A_236 = arith.constant 0 : i32
        %dma_start3A_237 = tpu.memref_slice %arg8[%run_scoped3A_177, %dma_start3A_236] : memref<4x64xi32, #tpu.memory_space<vmem>> -> memref<1x64xi32, #tpu.memory_space<vmem>>
        %dma_start3A_238 = tpu.memref_squeeze %dma_start3A_237 : memref<1x64xi32, #tpu.memory_space<vmem>> -> memref<64xi32, #tpu.memory_space<vmem>>
        %dma_start3A_239 = arith.constant 0 : i32
        %dma_start3A_240 = arith.constant 0 : i32
        %dma_start3A_241 = tpu.memref_slice %arg12[%dma_start3A_239, %dma_start3A_240] : memref<10240x128xf32, #tpu.memory_space<vmem_shared>> -> memref<10240x128xf32, #tpu.memory_space<vmem_shared>>
        tpu.enqueue_indirect_dma source(%dma_start3A_235 : memref<64x128xf32, #tpu.memory_space<vmem>>) target(%dma_start3A_241 : memref<10240x128xf32, #tpu.memory_space<vmem_shared>>) offsets(%dma_start3A_238 : memref<64xi32, #tpu.memory_space<vmem>>) semaphore(%run_scoped3A_232 : memref<!tpu.dma_semaphore, #tpu.memory_space<semaphore_mem>>) {add = true}
        %dma_wait3A_242 = arith.constant 64 : i32
        %dma_wait3A_243 = arith.constant 0 : i32
        %dma_wait3A_244 = tpu.memref_slice %arg10[%dma_wait3A_242, %dma_wait3A_243] : memref<128x128xf32, #tpu.memory_space<vmem>> -> memref<64x128xf32, #tpu.memory_space<vmem>>
        %dma_wait3A_245 = arith.constant 0 : i32
        %dma_wait3A_246 = tpu.memref_slice %arg8[%run_scoped3A_177, %dma_wait3A_245] : memref<4x64xi32, #tpu.memory_space<vmem>> -> memref<1x64xi32, #tpu.memory_space<vmem>>
        %dma_wait3A_247 = tpu.memref_squeeze %dma_wait3A_246 : memref<1x64xi32, #tpu.memory_space<vmem>> -> memref<64xi32, #tpu.memory_space<vmem>>
        %dma_wait3A_248 = arith.constant 0 : i32
        %dma_wait3A_249 = arith.constant 0 : i32
        %dma_wait3A_250 = tpu.memref_slice %arg12[%dma_wait3A_248, %dma_wait3A_249] : memref<10240x128xf32, #tpu.memory_space<vmem_shared>> -> memref<10240x128xf32, #tpu.memory_space<vmem_shared>>
        tpu.wait_indirect_dma semaphore(%run_scoped3A_232 : memref<!tpu.dma_semaphore, #tpu.memory_space<semaphore_mem>>) src(%dma_wait3A_244 : memref<64x128xf32, #tpu.memory_space<vmem>>) dst(%dma_wait3A_250 : memref<10240x128xf32, #tpu.memory_space<vmem_shared>>)
        tpu.yield
      }) : () -> ()
      %add3A_178 = arith.constant 3 : i32
      %add3A_179 = arith.addi %add3A_155, %add3A_178 : i32
      %lt3A_180 = arith.constant 80 : i32
      %lt3A_181 = arith.cmpi slt, %add3A_179, %lt3A_180 : i32
      %convert_element_type3A_182 = arith.extui %lt3A_181 : i1 to i32
      %cond3A_183 = arith.constant 0 : i32
      %cond3A_184 = arith.cmpi ne, %convert_element_type3A_182, %cond3A_183 : i32
      scf.if %cond3A_184 {
        %add3A_232 = arith.constant 3 : i32
        %add3A_233 = arith.addi %add3A_155, %add3A_232 : i32
        %mul3A_234 = arith.constant 80 : i32
        %mul3A_235 = arith.muli %add3A, %mul3A_234 : i32
        %add3A_236 = arith.addi %mul3A_235, %add3A_233 : i32
        %dma_start3A_237 = arith.constant 0 : i32
        %dma_start3A_238 = arith.constant 0 : i32
        %dma_start3A_239 = tpu.memref_slice %arg3[%add3A_236, %dma_start3A_237, %dma_start3A_238] : memref<2560x4x64xi32, #tpu.memory_space<hbm>> -> memref<1x4x64xi32, #tpu.memory_space<hbm>>
        %dma_start3A_240 = tpu.memref_squeeze %dma_start3A_239 : memref<1x4x64xi32, #tpu.memory_space<hbm>> -> memref<4x64xi32, #tpu.memory_space<hbm>>
        %dma_start3A_241 = arith.constant 0 : i32
        %dma_start3A_242 = arith.constant 0 : i32
        %dma_start3A_243 = tpu.memref_slice %arg3[%add3A_236, %dma_start3A_241, %dma_start3A_242] : memref<2560x4x64xi32, #tpu.memory_space<hbm>> -> memref<1x4x64xi32, #tpu.memory_space<hbm>>
        %dma_start3A_244 = tpu.memref_squeeze %dma_start3A_243 : memref<1x4x64xi32, #tpu.memory_space<hbm>> -> memref<4x64xi32, #tpu.memory_space<hbm>>
        tpu.enqueue_dma source(%dma_start3A_244 : memref<4x64xi32, #tpu.memory_space<hbm>>) target(%arg7 : memref<4x64xi32, #tpu.memory_space<vmem>>) target_semaphore(%arg14 : memref<!tpu.dma_semaphore, #tpu.memory_space<semaphore_mem>>)
      } else {
      }
      %add3A_185 = arith.constant 1 : i32
      %add3A_186 = arith.addi %add3A_155, %add3A_185 : i32
      %lt3A_187 = arith.constant 80 : i32
      %lt3A_188 = arith.cmpi slt, %add3A_186, %lt3A_187 : i32
      %convert_element_type3A_189 = arith.extui %lt3A_188 : i1 to i32
      %cond3A_190 = arith.constant 0 : i32
      %cond3A_191 = arith.cmpi ne, %convert_element_type3A_189, %cond3A_190 : i32
      scf.if %cond3A_191 {
        %add3A_232 = arith.constant 1 : i32
        %add3A_233 = arith.addi %add3A_155, %add3A_232 : i32
        %mul3A_234 = arith.constant 80 : i32
        %mul3A_235 = arith.muli %add3A, %mul3A_234 : i32
        %add3A_236 = arith.addi %mul3A_235, %add3A_233 : i32
        %dma_wait3A_237 = arith.constant 0 : i32
        %dma_wait3A_238 = arith.constant 0 : i32
        %dma_wait3A_239 = tpu.memref_slice %arg3[%add3A_236, %dma_wait3A_237, %dma_wait3A_238] : memref<2560x4x64xi32, #tpu.memory_space<hbm>> -> memref<1x4x64xi32, #tpu.memory_space<hbm>>
        %dma_wait3A_240 = tpu.memref_squeeze %dma_wait3A_239 : memref<1x4x64xi32, #tpu.memory_space<hbm>> -> memref<4x64xi32, #tpu.memory_space<hbm>>
        %dma_wait3A_241 = arith.constant 0 : i32
        %dma_wait3A_242 = arith.constant 0 : i32
        %dma_wait3A_243 = tpu.memref_slice %arg3[%add3A_236, %dma_wait3A_241, %dma_wait3A_242] : memref<2560x4x64xi32, #tpu.memory_space<hbm>> -> memref<1x4x64xi32, #tpu.memory_space<hbm>>
        %dma_wait3A_244 = tpu.memref_squeeze %dma_wait3A_243 : memref<1x4x64xi32, #tpu.memory_space<hbm>> -> memref<4x64xi32, #tpu.memory_space<hbm>>
        tpu.wait_dma2 semaphore(%arg16 : memref<!tpu.dma_semaphore, #tpu.memory_space<semaphore_mem>>) src(%dma_wait3A_244 : memref<4x64xi32, #tpu.memory_space<hbm>>) dst(%arg9 : memref<4x64xi32, #tpu.memory_space<vmem>>)
        %dma_start3A_245 = arith.constant 0 : i32
        %dma_start3A_246 = arith.constant 0 : i32
        %dma_start3A_247 = arith.constant 0 : i32
        %dma_start3A_248 = tpu.memref_slice %arg11[%dma_start3A_246, %dma_start3A_247] : memref<128x128xf32, #tpu.memory_space<vmem>> -> memref<64x128xf32, #tpu.memory_space<vmem>>
        %dma_start3A_249 = arith.constant 0 : i32
        %dma_start3A_250 = tpu.memref_slice %arg9[%dma_start3A_245, %dma_start3A_249] : memref<4x64xi32, #tpu.memory_space<vmem>> -> memref<1x64xi32, #tpu.memory_space<vmem>>
        %dma_start3A_251 = tpu.memref_squeeze %dma_start3A_250 : memref<1x64xi32, #tpu.memory_space<vmem>> -> memref<64xi32, #tpu.memory_space<vmem>>
        %dma_start3A_252 = arith.constant 0 : i32
        %dma_start3A_253 = arith.constant 0 : i32
        %dma_start3A_254 = tpu.memref_slice %arg2[%dma_start3A_252, %dma_start3A_253] : memref<10240x128xf32, #tpu.memory_space<hbm>> -> memref<10240x128xf32, #tpu.memory_space<hbm>>
        tpu.enqueue_indirect_dma source(%dma_start3A_254 : memref<10240x128xf32, #tpu.memory_space<hbm>>) target(%dma_start3A_248 : memref<64x128xf32, #tpu.memory_space<vmem>>) offsets(%dma_start3A_251 : memref<64xi32, #tpu.memory_space<vmem>>) semaphore(%arg18 : memref<!tpu.dma_semaphore, #tpu.memory_space<semaphore_mem>>)
        %dma_start3A_255 = arith.constant 1 : i32
        %dma_start3A_256 = arith.constant 64 : i32
        %dma_start3A_257 = arith.constant 0 : i32
        %dma_start3A_258 = tpu.memref_slice %arg11[%dma_start3A_256, %dma_start3A_257] : memref<128x128xf32, #tpu.memory_space<vmem>> -> memref<64x128xf32, #tpu.memory_space<vmem>>
        %dma_start3A_259 = arith.constant 0 : i32
        %dma_start3A_260 = tpu.memref_slice %arg9[%dma_start3A_255, %dma_start3A_259] : memref<4x64xi32, #tpu.memory_space<vmem>> -> memref<1x64xi32, #tpu.memory_space<vmem>>
        %dma_start3A_261 = tpu.memref_squeeze %dma_start3A_260 : memref<1x64xi32, #tpu.memory_space<vmem>> -> memref<64xi32, #tpu.memory_space<vmem>>
        %dma_start3A_262 = arith.constant 0 : i32
        %dma_start3A_263 = arith.constant 0 : i32
        %dma_start3A_264 = tpu.memref_slice %arg2[%dma_start3A_262, %dma_start3A_263] : memref<10240x128xf32, #tpu.memory_space<hbm>> -> memref<10240x128xf32, #tpu.memory_space<hbm>>
        tpu.enqueue_indirect_dma source(%dma_start3A_264 : memref<10240x128xf32, #tpu.memory_space<hbm>>) target(%dma_start3A_258 : memref<64x128xf32, #tpu.memory_space<vmem>>) offsets(%dma_start3A_261 : memref<64xi32, #tpu.memory_space<vmem>>) semaphore(%arg18 : memref<!tpu.dma_semaphore, #tpu.memory_space<semaphore_mem>>)
      } else {
      }
      %mul3A_192 = arith.constant 4 : i32
      %mul3A_193 = arith.muli %scan3A_75, %mul3A_192 : i32
      %add3A_194 = arith.constant 3 : i32
      %add3A_195 = arith.addi %mul3A_193, %add3A_194 : i32
      %dma_wait3A_196 = arith.constant 0 : i32
      %dma_wait3A_197 = arith.constant 0 : i32
      %dma_wait3A_198 = arith.constant 0 : i32
      %dma_wait3A_199 = tpu.memref_slice %arg11[%dma_wait3A_197, %dma_wait3A_198] : memref<128x128xf32, #tpu.memory_space<vmem>> -> memref<64x128xf32, #tpu.memory_space<vmem>>
      %dma_wait3A_200 = arith.constant 0 : i32
      %dma_wait3A_201 = tpu.memref_slice %arg9[%dma_wait3A_196, %dma_wait3A_200] : memref<4x64xi32, #tpu.memory_space<vmem>> -> memref<1x64xi32, #tpu.memory_space<vmem>>
      %dma_wait3A_202 = tpu.memref_squeeze %dma_wait3A_201 : memref<1x64xi32, #tpu.memory_space<vmem>> -> memref<64xi32, #tpu.memory_space<vmem>>
      %dma_wait3A_203 = arith.constant 0 : i32
      %dma_wait3A_204 = arith.constant 0 : i32
      %dma_wait3A_205 = tpu.memref_slice %arg2[%dma_wait3A_203, %dma_wait3A_204] : memref<10240x128xf32, #tpu.memory_space<hbm>> -> memref<10240x128xf32, #tpu.memory_space<hbm>>
      tpu.wait_indirect_dma semaphore(%arg18 : memref<!tpu.dma_semaphore, #tpu.memory_space<semaphore_mem>>) src(%dma_wait3A_205 : memref<10240x128xf32, #tpu.memory_space<hbm>>) dst(%dma_wait3A_199 : memref<64x128xf32, #tpu.memory_space<vmem>>)
      %dma_wait3A_206 = arith.constant 1 : i32
      %dma_wait3A_207 = arith.constant 64 : i32
      %dma_wait3A_208 = arith.constant 0 : i32
      %dma_wait3A_209 = tpu.memref_slice %arg11[%dma_wait3A_207, %dma_wait3A_208] : memref<128x128xf32, #tpu.memory_space<vmem>> -> memref<64x128xf32, #tpu.memory_space<vmem>>
      %dma_wait3A_210 = arith.constant 0 : i32
      %dma_wait3A_211 = tpu.memref_slice %arg9[%dma_wait3A_206, %dma_wait3A_210] : memref<4x64xi32, #tpu.memory_space<vmem>> -> memref<1x64xi32, #tpu.memory_space<vmem>>
      %dma_wait3A_212 = tpu.memref_squeeze %dma_wait3A_211 : memref<1x64xi32, #tpu.memory_space<vmem>> -> memref<64xi32, #tpu.memory_space<vmem>>
      %dma_wait3A_213 = arith.constant 0 : i32
      %dma_wait3A_214 = arith.constant 0 : i32
      %dma_wait3A_215 = tpu.memref_slice %arg2[%dma_wait3A_213, %dma_wait3A_214] : memref<10240x128xf32, #tpu.memory_space<hbm>> -> memref<10240x128xf32, #tpu.memory_space<hbm>>
      tpu.wait_indirect_dma semaphore(%arg18 : memref<!tpu.dma_semaphore, #tpu.memory_space<semaphore_mem>>) src(%dma_wait3A_215 : memref<10240x128xf32, #tpu.memory_space<hbm>>) dst(%dma_wait3A_209 : memref<64x128xf32, #tpu.memory_space<vmem>>)
      %run_scoped3A_216 = arith.constant 2 : i32
      "tpu.region"() ({
        %run_scoped3A_232 = tpu.sem_alloc : memref<!tpu.dma_semaphore, #tpu.memory_space<semaphore_mem>>
        %dma_start3A_233 = arith.constant 0 : i32
        %dma_start3A_234 = arith.constant 0 : i32
        %dma_start3A_235 = tpu.memref_slice %arg11[%dma_start3A_233, %dma_start3A_234] : memref<128x128xf32, #tpu.memory_space<vmem>> -> memref<64x128xf32, #tpu.memory_space<vmem>>
        %dma_start3A_236 = arith.constant 0 : i32
        %dma_start3A_237 = tpu.memref_slice %arg9[%run_scoped3A_216, %dma_start3A_236] : memref<4x64xi32, #tpu.memory_space<vmem>> -> memref<1x64xi32, #tpu.memory_space<vmem>>
        %dma_start3A_238 = tpu.memref_squeeze %dma_start3A_237 : memref<1x64xi32, #tpu.memory_space<vmem>> -> memref<64xi32, #tpu.memory_space<vmem>>
        %dma_start3A_239 = arith.constant 0 : i32
        %dma_start3A_240 = arith.constant 0 : i32
        %dma_start3A_241 = tpu.memref_slice %arg12[%dma_start3A_239, %dma_start3A_240] : memref<10240x128xf32, #tpu.memory_space<vmem_shared>> -> memref<10240x128xf32, #tpu.memory_space<vmem_shared>>
        tpu.enqueue_indirect_dma source(%dma_start3A_235 : memref<64x128xf32, #tpu.memory_space<vmem>>) target(%dma_start3A_241 : memref<10240x128xf32, #tpu.memory_space<vmem_shared>>) offsets(%dma_start3A_238 : memref<64xi32, #tpu.memory_space<vmem>>) semaphore(%run_scoped3A_232 : memref<!tpu.dma_semaphore, #tpu.memory_space<semaphore_mem>>) {add = true}
        %dma_wait3A_242 = arith.constant 0 : i32
        %dma_wait3A_243 = arith.constant 0 : i32
        %dma_wait3A_244 = tpu.memref_slice %arg11[%dma_wait3A_242, %dma_wait3A_243] : memref<128x128xf32, #tpu.memory_space<vmem>> -> memref<64x128xf32, #tpu.memory_space<vmem>>
        %dma_wait3A_245 = arith.constant 0 : i32
        %dma_wait3A_246 = tpu.memref_slice %arg9[%run_scoped3A_216, %dma_wait3A_245] : memref<4x64xi32, #tpu.memory_space<vmem>> -> memref<1x64xi32, #tpu.memory_space<vmem>>
        %dma_wait3A_247 = tpu.memref_squeeze %dma_wait3A_246 : memref<1x64xi32, #tpu.memory_space<vmem>> -> memref<64xi32, #tpu.memory_space<vmem>>
        %dma_wait3A_248 = arith.constant 0 : i32
        %dma_wait3A_249 = arith.constant 0 : i32
        %dma_wait3A_250 = tpu.memref_slice %arg12[%dma_wait3A_248, %dma_wait3A_249] : memref<10240x128xf32, #tpu.memory_space<vmem_shared>> -> memref<10240x128xf32, #tpu.memory_space<vmem_shared>>
        tpu.wait_indirect_dma semaphore(%run_scoped3A_232 : memref<!tpu.dma_semaphore, #tpu.memory_space<semaphore_mem>>) src(%dma_wait3A_244 : memref<64x128xf32, #tpu.memory_space<vmem>>) dst(%dma_wait3A_250 : memref<10240x128xf32, #tpu.memory_space<vmem_shared>>)
        tpu.yield
      }) : () -> ()
      %run_scoped3A_217 = arith.constant 3 : i32
      "tpu.region"() ({
        %run_scoped3A_232 = tpu.sem_alloc : memref<!tpu.dma_semaphore, #tpu.memory_space<semaphore_mem>>
        %dma_start3A_233 = arith.constant 64 : i32
        %dma_start3A_234 = arith.constant 0 : i32
        %dma_start3A_235 = tpu.memref_slice %arg11[%dma_start3A_233, %dma_start3A_234] : memref<128x128xf32, #tpu.memory_space<vmem>> -> memref<64x128xf32, #tpu.memory_space<vmem>>
        %dma_start3A_236 = arith.constant 0 : i32
        %dma_start3A_237 = tpu.memref_slice %arg9[%run_scoped3A_217, %dma_start3A_236] : memref<4x64xi32, #tpu.memory_space<vmem>> -> memref<1x64xi32, #tpu.memory_space<vmem>>
        %dma_start3A_238 = tpu.memref_squeeze %dma_start3A_237 : memref<1x64xi32, #tpu.memory_space<vmem>> -> memref<64xi32, #tpu.memory_space<vmem>>
        %dma_start3A_239 = arith.constant 0 : i32
        %dma_start3A_240 = arith.constant 0 : i32
        %dma_start3A_241 = tpu.memref_slice %arg12[%dma_start3A_239, %dma_start3A_240] : memref<10240x128xf32, #tpu.memory_space<vmem_shared>> -> memref<10240x128xf32, #tpu.memory_space<vmem_shared>>
        tpu.enqueue_indirect_dma source(%dma_start3A_235 : memref<64x128xf32, #tpu.memory_space<vmem>>) target(%dma_start3A_241 : memref<10240x128xf32, #tpu.memory_space<vmem_shared>>) offsets(%dma_start3A_238 : memref<64xi32, #tpu.memory_space<vmem>>) semaphore(%run_scoped3A_232 : memref<!tpu.dma_semaphore, #tpu.memory_space<semaphore_mem>>) {add = true}
        %dma_wait3A_242 = arith.constant 64 : i32
        %dma_wait3A_243 = arith.constant 0 : i32
        %dma_wait3A_244 = tpu.memref_slice %arg11[%dma_wait3A_242, %dma_wait3A_243] : memref<128x128xf32, #tpu.memory_space<vmem>> -> memref<64x128xf32, #tpu.memory_space<vmem>>
        %dma_wait3A_245 = arith.constant 0 : i32
        %dma_wait3A_246 = tpu.memref_slice %arg9[%run_scoped3A_217, %dma_wait3A_245] : memref<4x64xi32, #tpu.memory_space<vmem>> -> memref<1x64xi32, #tpu.memory_space<vmem>>
        %dma_wait3A_247 = tpu.memref_squeeze %dma_wait3A_246 : memref<1x64xi32, #tpu.memory_space<vmem>> -> memref<64xi32, #tpu.memory_space<vmem>>
        %dma_wait3A_248 = arith.constant 0 : i32
        %dma_wait3A_249 = arith.constant 0 : i32
        %dma_wait3A_250 = tpu.memref_slice %arg12[%dma_wait3A_248, %dma_wait3A_249] : memref<10240x128xf32, #tpu.memory_space<vmem_shared>> -> memref<10240x128xf32, #tpu.memory_space<vmem_shared>>
        tpu.wait_indirect_dma semaphore(%run_scoped3A_232 : memref<!tpu.dma_semaphore, #tpu.memory_space<semaphore_mem>>) src(%dma_wait3A_244 : memref<64x128xf32, #tpu.memory_space<vmem>>) dst(%dma_wait3A_250 : memref<10240x128xf32, #tpu.memory_space<vmem_shared>>)
        tpu.yield
      }) : () -> ()
      %add3A_218 = arith.constant 3 : i32
      %add3A_219 = arith.addi %add3A_195, %add3A_218 : i32
      %lt3A_220 = arith.constant 80 : i32
      %lt3A_221 = arith.cmpi slt, %add3A_219, %lt3A_220 : i32
      %convert_element_type3A_222 = arith.extui %lt3A_221 : i1 to i32
      %cond3A_223 = arith.constant 0 : i32
      %cond3A_224 = arith.cmpi ne, %convert_element_type3A_222, %cond3A_223 : i32
      scf.if %cond3A_224 {
        %add3A_232 = arith.constant 3 : i32
        %add3A_233 = arith.addi %add3A_195, %add3A_232 : i32
        %mul3A_234 = arith.constant 80 : i32
        %mul3A_235 = arith.muli %add3A, %mul3A_234 : i32
        %add3A_236 = arith.addi %mul3A_235, %add3A_233 : i32
        %dma_start3A_237 = arith.constant 0 : i32
        %dma_start3A_238 = arith.constant 0 : i32
        %dma_start3A_239 = tpu.memref_slice %arg3[%add3A_236, %dma_start3A_237, %dma_start3A_238] : memref<2560x4x64xi32, #tpu.memory_space<hbm>> -> memref<1x4x64xi32, #tpu.memory_space<hbm>>
        %dma_start3A_240 = tpu.memref_squeeze %dma_start3A_239 : memref<1x4x64xi32, #tpu.memory_space<hbm>> -> memref<4x64xi32, #tpu.memory_space<hbm>>
        %dma_start3A_241 = arith.constant 0 : i32
        %dma_start3A_242 = arith.constant 0 : i32
        %dma_start3A_243 = tpu.memref_slice %arg3[%add3A_236, %dma_start3A_241, %dma_start3A_242] : memref<2560x4x64xi32, #tpu.memory_space<hbm>> -> memref<1x4x64xi32, #tpu.memory_space<hbm>>
        %dma_start3A_244 = tpu.memref_squeeze %dma_start3A_243 : memref<1x4x64xi32, #tpu.memory_space<hbm>> -> memref<4x64xi32, #tpu.memory_space<hbm>>
        tpu.enqueue_dma source(%dma_start3A_244 : memref<4x64xi32, #tpu.memory_space<hbm>>) target(%arg8 : memref<4x64xi32, #tpu.memory_space<vmem>>) target_semaphore(%arg15 : memref<!tpu.dma_semaphore, #tpu.memory_space<semaphore_mem>>)
      } else {
      }
      %add3A_225 = arith.constant 1 : i32
      %add3A_226 = arith.addi %add3A_195, %add3A_225 : i32
      %lt3A_227 = arith.constant 80 : i32
      %lt3A_228 = arith.cmpi slt, %add3A_226, %lt3A_227 : i32
      %convert_element_type3A_229 = arith.extui %lt3A_228 : i1 to i32
      %cond3A_230 = arith.constant 0 : i32
      %cond3A_231 = arith.cmpi ne, %convert_element_type3A_229, %cond3A_230 : i32
      scf.if %cond3A_231 {
        %add3A_232 = arith.constant 1 : i32
        %add3A_233 = arith.addi %add3A_195, %add3A_232 : i32
        %mul3A_234 = arith.constant 80 : i32
        %mul3A_235 = arith.muli %add3A, %mul3A_234 : i32
        %add3A_236 = arith.addi %mul3A_235, %add3A_233 : i32
        %dma_wait3A_237 = arith.constant 0 : i32
        %dma_wait3A_238 = arith.constant 0 : i32
        %dma_wait3A_239 = tpu.memref_slice %arg3[%add3A_236, %dma_wait3A_237, %dma_wait3A_238] : memref<2560x4x64xi32, #tpu.memory_space<hbm>> -> memref<1x4x64xi32, #tpu.memory_space<hbm>>
        %dma_wait3A_240 = tpu.memref_squeeze %dma_wait3A_239 : memref<1x4x64xi32, #tpu.memory_space<hbm>> -> memref<4x64xi32, #tpu.memory_space<hbm>>
        %dma_wait3A_241 = arith.constant 0 : i32
        %dma_wait3A_242 = arith.constant 0 : i32
        %dma_wait3A_243 = tpu.memref_slice %arg3[%add3A_236, %dma_wait3A_241, %dma_wait3A_242] : memref<2560x4x64xi32, #tpu.memory_space<hbm>> -> memref<1x4x64xi32, #tpu.memory_space<hbm>>
        %dma_wait3A_244 = tpu.memref_squeeze %dma_wait3A_243 : memref<1x4x64xi32, #tpu.memory_space<hbm>> -> memref<4x64xi32, #tpu.memory_space<hbm>>
        tpu.wait_dma2 semaphore(%arg13 : memref<!tpu.dma_semaphore, #tpu.memory_space<semaphore_mem>>) src(%dma_wait3A_244 : memref<4x64xi32, #tpu.memory_space<hbm>>) dst(%arg6 : memref<4x64xi32, #tpu.memory_space<vmem>>)
        %dma_start3A_245 = arith.constant 0 : i32
        %dma_start3A_246 = arith.constant 0 : i32
        %dma_start3A_247 = arith.constant 0 : i32
        %dma_start3A_248 = tpu.memref_slice %arg10[%dma_start3A_246, %dma_start3A_247] : memref<128x128xf32, #tpu.memory_space<vmem>> -> memref<64x128xf32, #tpu.memory_space<vmem>>
        %dma_start3A_249 = arith.constant 0 : i32
        %dma_start3A_250 = tpu.memref_slice %arg6[%dma_start3A_245, %dma_start3A_249] : memref<4x64xi32, #tpu.memory_space<vmem>> -> memref<1x64xi32, #tpu.memory_space<vmem>>
        %dma_start3A_251 = tpu.memref_squeeze %dma_start3A_250 : memref<1x64xi32, #tpu.memory_space<vmem>> -> memref<64xi32, #tpu.memory_space<vmem>>
        %dma_start3A_252 = arith.constant 0 : i32
        %dma_start3A_253 = arith.constant 0 : i32
        %dma_start3A_254 = tpu.memref_slice %arg2[%dma_start3A_252, %dma_start3A_253] : memref<10240x128xf32, #tpu.memory_space<hbm>> -> memref<10240x128xf32, #tpu.memory_space<hbm>>
        tpu.enqueue_indirect_dma source(%dma_start3A_254 : memref<10240x128xf32, #tpu.memory_space<hbm>>) target(%dma_start3A_248 : memref<64x128xf32, #tpu.memory_space<vmem>>) offsets(%dma_start3A_251 : memref<64xi32, #tpu.memory_space<vmem>>) semaphore(%arg17 : memref<!tpu.dma_semaphore, #tpu.memory_space<semaphore_mem>>)
        %dma_start3A_255 = arith.constant 1 : i32
        %dma_start3A_256 = arith.constant 64 : i32
        %dma_start3A_257 = arith.constant 0 : i32
        %dma_start3A_258 = tpu.memref_slice %arg10[%dma_start3A_256, %dma_start3A_257] : memref<128x128xf32, #tpu.memory_space<vmem>> -> memref<64x128xf32, #tpu.memory_space<vmem>>
        %dma_start3A_259 = arith.constant 0 : i32
        %dma_start3A_260 = tpu.memref_slice %arg6[%dma_start3A_255, %dma_start3A_259] : memref<4x64xi32, #tpu.memory_space<vmem>> -> memref<1x64xi32, #tpu.memory_space<vmem>>
        %dma_start3A_261 = tpu.memref_squeeze %dma_start3A_260 : memref<1x64xi32, #tpu.memory_space<vmem>> -> memref<64xi32, #tpu.memory_space<vmem>>
        %dma_start3A_262 = arith.constant 0 : i32
        %dma_start3A_263 = arith.constant 0 : i32
        %dma_start3A_264 = tpu.memref_slice %arg2[%dma_start3A_262, %dma_start3A_263] : memref<10240x128xf32, #tpu.memory_space<hbm>> -> memref<10240x128xf32, #tpu.memory_space<hbm>>
        tpu.enqueue_indirect_dma source(%dma_start3A_264 : memref<10240x128xf32, #tpu.memory_space<hbm>>) target(%dma_start3A_258 : memref<64x128xf32, #tpu.memory_space<vmem>>) offsets(%dma_start3A_261 : memref<64xi32, #tpu.memory_space<vmem>>) semaphore(%arg17 : memref<!tpu.dma_semaphore, #tpu.memory_space<semaphore_mem>>)
      } else {
      }
    }
    %scan3A_73 = arith.constant 20 : i32
    %barrier3A_74 = arith.constant 0 : index
    tpu.barrier barrier_id(%barrier3A_74)
    "tpu.region"() ({
      %run_scoped3A = tpu.sem_alloc : memref<!tpu.dma_semaphore, #tpu.memory_space<semaphore_mem>>
      %dma_start3A_75 = arith.constant 0 : i32
      %dma_start3A_76 = tpu.memref_slice %arg5[%arg0, %mul3A_2, %dma_start3A_75] : memref<2x10240x128xf32, #tpu.memory_space<hbm>> -> memref<1x640x128xf32, #tpu.memory_space<hbm>>
      %dma_start3A_77 = tpu.memref_squeeze %dma_start3A_76 : memref<1x640x128xf32, #tpu.memory_space<hbm>> -> memref<640x128xf32, #tpu.memory_space<hbm>>
      %dma_start3A_78 = arith.constant 0 : i32
      %dma_start3A_79 = tpu.memref_slice %arg12[%mul3A_2, %dma_start3A_78] : memref<10240x128xf32, #tpu.memory_space<vmem_shared>> -> memref<640x128xf32, #tpu.memory_space<vmem_shared>>
      tpu.enqueue_dma source(%dma_start3A_79 : memref<640x128xf32, #tpu.memory_space<vmem_shared>>) target(%dma_start3A_77 : memref<640x128xf32, #tpu.memory_space<hbm>>) target_semaphore(%run_scoped3A : memref<!tpu.dma_semaphore, #tpu.memory_space<semaphore_mem>>)
      %dma_wait3A_80 = arith.constant 0 : i32
      %dma_wait3A_81 = tpu.memref_slice %arg5[%arg0, %mul3A_2, %dma_wait3A_80] : memref<2x10240x128xf32, #tpu.memory_space<hbm>> -> memref<1x640x128xf32, #tpu.memory_space<hbm>>
      %dma_wait3A_82 = tpu.memref_squeeze %dma_wait3A_81 : memref<1x640x128xf32, #tpu.memory_space<hbm>> -> memref<640x128xf32, #tpu.memory_space<hbm>>
      %dma_wait3A_83 = arith.constant 0 : i32
      %dma_wait3A_84 = tpu.memref_slice %arg12[%mul3A_2, %dma_wait3A_83] : memref<10240x128xf32, #tpu.memory_space<vmem_shared>> -> memref<640x128xf32, #tpu.memory_space<vmem_shared>>
      tpu.wait_dma2 semaphore(%run_scoped3A : memref<!tpu.dma_semaphore, #tpu.memory_space<semaphore_mem>>) src(%dma_wait3A_84 : memref<640x128xf32, #tpu.memory_space<vmem_shared>>) dst(%dma_wait3A_82 : memref<640x128xf32, #tpu.memory_space<hbm>>)
      tpu.yield
    }) : () -> ()
    return
  }
}

module attributes {stable_mosaic.version = 14 : i64} {
  func.func @_mm_kernel(%arg0: i32, %arg1: memref<640x128xf32, #tpu.memory_space<vmem>>, %arg2: memref<128x128xf32, #tpu.memory_space<vmem>>, %arg3: memref<1x128xf32, #tpu.memory_space<vmem>>, %arg4: memref<640x128xf32, #tpu.memory_space<vmem>>) attributes {dimension_semantics = [#tpu.dimension_semantics<arbitrary>], iteration_bounds = array<i64: 16>, scalar_prefetch = 0 : i64, scratch_operands = 0 : i64, tpu.core_type = #tpu.core_type<tc>, window_params = [{transform_indices = @transform_0, window_bounds = array<i64: 640, 128>}, {pipeline_mode = #tpu.pipeline_mode<synchronous>, transform_indices = @transform_1, window_bounds = array<i64: 128, 128>}, {pipeline_mode = #tpu.pipeline_mode<synchronous>, transform_indices = @transform_2, window_bounds = array<i64: 1, 128>}, {transform_indices = @transform_3, window_bounds = array<i64: 640, 128>}]} {
    %get3A = arith.constant 0 : index
    %get3A_0 = arith.constant 0 : index
    %get3A_1 = vector.load %arg1[%get3A, %get3A_0] : memref<640x128xf32, #tpu.memory_space<vmem>>, vector<640x128xf32>
    %get3A_2 = arith.constant 0 : index
    %get3A_3 = arith.constant 0 : index
    %get3A_4 = vector.load %arg2[%get3A_2, %get3A_3] : memref<128x128xf32, #tpu.memory_space<vmem>>, vector<128x128xf32>
    %dot_general3A = arith.constant dense<0.000000e+00> : vector<640x128xf32>
    %dot_general3A_5 = tpu.matmul %get3A_1, %get3A_4, %dot_general3A {dimension_numbers = #tpu.dot_dimension_numbers<[1], [0], [0], [1], [0, 0, 1, 1], [], []>, transpose_lhs_hint = false} : vector<640x128xf32>, vector<128x128xf32>, vector<640x128xf32> -> vector<640x128xf32>
    %get3A_6 = arith.constant 0 : index
    %get3A_7 = arith.constant 0 : index
    %get3A_8 = vector.load %arg3[%get3A_6, %get3A_7] : memref<1x128xf32, #tpu.memory_space<vmem>>, vector<1x128xf32>
    %add3A = vector.broadcast %get3A_8 : vector<1x128xf32> to vector<640x128xf32>
    %add3A_9 = arith.addf %dot_general3A_5, %add3A : vector<640x128xf32>
    %max3A = arith.constant 0.000000e+00 : f32
    %max3A_10 = vector.broadcast %max3A : f32 to vector<640x128xf32>
    %max3A_11 = arith.maximumf %add3A_9, %max3A_10 : vector<640x128xf32>
    %swap3A = arith.constant 0 : index
    %swap3A_12 = arith.constant 0 : index
    %swap3A_13 = vector.load %arg4[%swap3A, %swap3A_12] : memref<640x128xf32, #tpu.memory_space<vmem>>, vector<640x128xf32>
    tpu.vector_store %arg4[%swap3A, %swap3A_12], %max3A_11 {strides = array<i32>} : memref<640x128xf32, #tpu.memory_space<vmem>>, vector<640x128xf32>,
    return
  }
  func.func @transform_0(%arg0: i32) -> (i32, i32) {
    %c0_i32 = arith.constant 0 : i32
    %c0_i32_0 = arith.constant 0 : i32
    return %arg0, %c0_i32 : i32, i32
  }
  func.func @transform_1(%arg0: i32) -> (i32, i32) {
    %c0_i32 = arith.constant 0 : i32
    %c0_i32_0 = arith.constant 0 : i32
    %c0_i32_1 = arith.constant 0 : i32
    return %c0_i32, %c0_i32_0 : i32, i32
  }
  func.func @transform_2(%arg0: i32) -> (i32, i32) {
    %c0_i32 = arith.constant 0 : i32
    %c0_i32_0 = arith.constant 0 : i32
    %c0_i32_1 = arith.constant 0 : i32
    return %c0_i32, %c0_i32_0 : i32, i32
  }
  func.func @transform_3(%arg0: i32) -> (i32, i32) {
    %c0_i32 = arith.constant 0 : i32
    %c0_i32_0 = arith.constant 0 : i32
    return %arg0, %c0_i32 : i32, i32
  }
}

module attributes {stable_mosaic.version = 14 : i64} {
  func.func @_comb_mm_kernel(%arg0: i32, %arg1: memref<2x640x128xf32, #tpu.memory_space<vmem>>, %arg2: memref<128x128xf32, #tpu.memory_space<vmem>>, %arg3: memref<1x128xf32, #tpu.memory_space<vmem>>, %arg4: memref<640x128xf32, #tpu.memory_space<vmem>>) attributes {dimension_semantics = [#tpu.dimension_semantics<arbitrary>], iteration_bounds = array<i64: 16>, scalar_prefetch = 0 : i64, scratch_operands = 0 : i64, tpu.core_type = #tpu.core_type<tc>, window_params = [{transform_indices = @transform_0, window_bounds = array<i64: 2, 640, 128>}, {pipeline_mode = #tpu.pipeline_mode<synchronous>, transform_indices = @transform_1, window_bounds = array<i64: 128, 128>}, {pipeline_mode = #tpu.pipeline_mode<synchronous>, transform_indices = @transform_2, window_bounds = array<i64: 1, 128>}, {transform_indices = @transform_3, window_bounds = array<i64: 640, 128>}]} {
    %get3A = arith.constant 0 : index
    %get3A_0 = arith.constant 0 : index
    %get3A_1 = arith.constant 0 : index
    %get3A_2 = vector.load %arg1[%get3A, %get3A_0, %get3A_1] : memref<2x640x128xf32, #tpu.memory_space<vmem>>, vector<1x640x128xf32>
    %get3A_3 = vector.shape_cast %get3A_2 : vector<1x640x128xf32> to vector<640x128xf32>
    %get3A_4 = arith.constant 1 : index
    %get3A_5 = arith.constant 0 : index
    %get3A_6 = arith.constant 0 : index
    %get3A_7 = vector.load %arg1[%get3A_4, %get3A_5, %get3A_6] : memref<2x640x128xf32, #tpu.memory_space<vmem>>, vector<1x640x128xf32>
    %get3A_8 = vector.shape_cast %get3A_7 : vector<1x640x128xf32> to vector<640x128xf32>
    %add3A = arith.addf %get3A_3, %get3A_8 : vector<640x128xf32>
    %get3A_9 = arith.constant 0 : index
    %get3A_10 = arith.constant 0 : index
    %get3A_11 = vector.load %arg2[%get3A_9, %get3A_10] : memref<128x128xf32, #tpu.memory_space<vmem>>, vector<128x128xf32>
    %dot_general3A = arith.constant dense<0.000000e+00> : vector<640x128xf32>
    %dot_general3A_12 = tpu.matmul %add3A, %get3A_11, %dot_general3A {dimension_numbers = #tpu.dot_dimension_numbers<[1], [0], [0], [1], [0, 0, 1, 1], [], []>, transpose_lhs_hint = false} : vector<640x128xf32>, vector<128x128xf32>, vector<640x128xf32> -> vector<640x128xf32>
    %get3A_13 = arith.constant 0 : index
    %get3A_14 = arith.constant 0 : index
    %get3A_15 = vector.load %arg3[%get3A_13, %get3A_14] : memref<1x128xf32, #tpu.memory_space<vmem>>, vector<1x128xf32>
    %add3A_16 = vector.broadcast %get3A_15 : vector<1x128xf32> to vector<640x128xf32>
    %add3A_17 = arith.addf %dot_general3A_12, %add3A_16 : vector<640x128xf32>
    %max3A = arith.constant 0.000000e+00 : f32
    %max3A_18 = vector.broadcast %max3A : f32 to vector<640x128xf32>
    %max3A_19 = arith.maximumf %add3A_17, %max3A_18 : vector<640x128xf32>
    %swap3A = arith.constant 0 : index
    %swap3A_20 = arith.constant 0 : index
    %swap3A_21 = vector.load %arg4[%swap3A, %swap3A_20] : memref<640x128xf32, #tpu.memory_space<vmem>>, vector<640x128xf32>
    tpu.vector_store %arg4[%swap3A, %swap3A_20], %max3A_19 {strides = array<i32>} : memref<640x128xf32, #tpu.memory_space<vmem>>, vector<640x128xf32>,
    return
  }
  func.func @transform_0(%arg0: i32) -> (i32, i32, i32) {
    %c0_i32 = arith.constant 0 : i32
    %c0_i32_0 = arith.constant 0 : i32
    %c0_i32_1 = arith.constant 0 : i32
    return %c0_i32, %arg0, %c0_i32_0 : i32, i32, i32
  }
  func.func @transform_1(%arg0: i32) -> (i32, i32) {
    %c0_i32 = arith.constant 0 : i32
    %c0_i32_0 = arith.constant 0 : i32
    %c0_i32_1 = arith.constant 0 : i32
    return %c0_i32, %c0_i32_0 : i32, i32
  }
  func.func @transform_2(%arg0: i32) -> (i32, i32) {
    %c0_i32 = arith.constant 0 : i32
    %c0_i32_0 = arith.constant 0 : i32
    %c0_i32_1 = arith.constant 0 : i32
    return %c0_i32, %c0_i32_0 : i32, i32
  }
  func.func @transform_3(%arg0: i32) -> (i32, i32) {
    %c0_i32 = arith.constant 0 : i32
    %c0_i32_0 = arith.constant 0 : i32
    return %arg0, %c0_i32 : i32, i32
  }
}

module attributes {stable_mosaic.version = 14 : i64} {
  func.func @_comb_mm_kernel(%arg0: i32, %arg1: memref<2x640x128xf32, #tpu.memory_space<vmem>>, %arg2: memref<128x40xf32, #tpu.memory_space<vmem>>, %arg3: memref<1x40xf32, #tpu.memory_space<vmem>>, %arg4: memref<640x40xf32, #tpu.memory_space<vmem>>) attributes {dimension_semantics = [#tpu.dimension_semantics<arbitrary>], iteration_bounds = array<i64: 16>, scalar_prefetch = 0 : i64, scratch_operands = 0 : i64, tpu.core_type = #tpu.core_type<tc>, window_params = [{transform_indices = @transform_0, window_bounds = array<i64: 2, 640, 128>}, {pipeline_mode = #tpu.pipeline_mode<synchronous>, transform_indices = @transform_1, window_bounds = array<i64: 128, 40>}, {pipeline_mode = #tpu.pipeline_mode<synchronous>, transform_indices = @transform_2, window_bounds = array<i64: 1, 40>}, {transform_indices = @transform_3, window_bounds = array<i64: 640, 40>}]} {
    %get3A = arith.constant 0 : index
    %get3A_0 = arith.constant 0 : index
    %get3A_1 = arith.constant 0 : index
    %get3A_2 = vector.load %arg1[%get3A, %get3A_0, %get3A_1] : memref<2x640x128xf32, #tpu.memory_space<vmem>>, vector<1x640x128xf32>
    %get3A_3 = vector.shape_cast %get3A_2 : vector<1x640x128xf32> to vector<640x128xf32>
    %get3A_4 = arith.constant 1 : index
    %get3A_5 = arith.constant 0 : index
    %get3A_6 = arith.constant 0 : index
    %get3A_7 = vector.load %arg1[%get3A_4, %get3A_5, %get3A_6] : memref<2x640x128xf32, #tpu.memory_space<vmem>>, vector<1x640x128xf32>
    %get3A_8 = vector.shape_cast %get3A_7 : vector<1x640x128xf32> to vector<640x128xf32>
    %add3A = arith.addf %get3A_3, %get3A_8 : vector<640x128xf32>
    %get3A_9 = arith.constant 0 : index
    %get3A_10 = arith.constant 0 : index
    %get3A_11 = vector.load %arg2[%get3A_9, %get3A_10] : memref<128x40xf32, #tpu.memory_space<vmem>>, vector<128x40xf32>
    %dot_general3A = arith.constant dense<0.000000e+00> : vector<640x40xf32>
    %dot_general3A_12 = tpu.matmul %add3A, %get3A_11, %dot_general3A {dimension_numbers = #tpu.dot_dimension_numbers<[1], [0], [0], [1], [0, 0, 1, 1], [], []>, transpose_lhs_hint = false} : vector<640x128xf32>, vector<128x40xf32>, vector<640x40xf32> -> vector<640x40xf32>
    %get3A_13 = arith.constant 0 : index
    %get3A_14 = arith.constant 0 : index
    %get3A_15 = vector.load %arg3[%get3A_13, %get3A_14] : memref<1x40xf32, #tpu.memory_space<vmem>>, vector<1x40xf32>
    %add3A_16 = vector.broadcast %get3A_15 : vector<1x40xf32> to vector<640x40xf32>
    %add3A_17 = arith.addf %dot_general3A_12, %add3A_16 : vector<640x40xf32>
    %swap3A = arith.constant 0 : index
    %swap3A_18 = arith.constant 0 : index
    %swap3A_19 = vector.load %arg4[%swap3A, %swap3A_18] : memref<640x40xf32, #tpu.memory_space<vmem>>, vector<640x40xf32>
    tpu.vector_store %arg4[%swap3A, %swap3A_18], %add3A_17 {strides = array<i32>} : memref<640x40xf32, #tpu.memory_space<vmem>>, vector<640x40xf32>,
    return
  }
  func.func @transform_0(%arg0: i32) -> (i32, i32, i32) {
    %c0_i32 = arith.constant 0 : i32
    %c0_i32_0 = arith.constant 0 : i32
    %c0_i32_1 = arith.constant 0 : i32
    return %c0_i32, %arg0, %c0_i32_0 : i32, i32, i32
  }
  func.func @transform_1(%arg0: i32) -> (i32, i32) {
    %c0_i32 = arith.constant 0 : i32
    %c0_i32_0 = arith.constant 0 : i32
    %c0_i32_1 = arith.constant 0 : i32
    return %c0_i32, %c0_i32_0 : i32, i32
  }
  func.func @transform_2(%arg0: i32) -> (i32, i32) {
    %c0_i32 = arith.constant 0 : i32
    %c0_i32_0 = arith.constant 0 : i32
    %c0_i32_1 = arith.constant 0 : i32
    return %c0_i32, %c0_i32_0 : i32, i32
  }
  func.func @transform_3(%arg0: i32) -> (i32, i32) {
    %c0_i32 = arith.constant 0 : i32
    %c0_i32_0 = arith.constant 0 : i32
    return %arg0, %c0_i32 : i32, i32
  }
}

</mosaic_0001>

<sc_bundles>
// kernel: kernel.10.cloned.1.call-start
scs
__scs_entry_jumppad:
0x0: {  	(pc) =	sbr.rel $0x88, $3  }
0x1: {  	(tag) =	ssettag $0x0;
	lr =	simm.s32 $0x1  }
0x2: {  	[smem:$0x3F99] =	sst lr;
	_ =	strace $0xD0000000  }
0x3: {  	_ = 	snop  }
0x4: {  	_ = 	snop  }
0x5: {  	_ = 	snop  }
0x6: {  	_ = 	snop  }
0x7: {  	_ = 	snop  }
__scs_overlays_trampoline_lowered:
0x8: {  	[smem:$0x3FA8] =	sst s0  }
0x9: {  	[smem:$0x3FA9] =	sst s1  }
0xa: {  	[smem:$0x3FAA] =	sst s2  }
0xb: {  	[smem:$0x3FAB] =	sst s3  }
0xc: {  	[smem:$0x3FAC] =	sst s4  }
0xd: {  	[smem:$0x3FAD] =	sst s5  }
0xe: {  	[smem:$0x3FAE] =	sst s6  }
0xf: {  	[smem:$0x3FAF] =	sst s7  }
0x10: {  	[smem:$0x3FB0] =	sst s8  }
0x11: {  	[smem:$0x3FB1] =	sst s9;
	s0 =	simm.s32 @!p0 $0x0  }
0x12: {  	s1 =	sld [smem:$0x3F97];
	s0 =	simm.s32 @p0 $0x1  }
0x13: {  	[smem:$0x3FB2] =	sst s0;
	s0 =	simm.s32 @!p1 $0x0  }
0x14: {  	s2 =	sld [smem:$0x3F96];
	s0 =	simm.s32 @p1 $0x1  }
0x15: {  	[smem:$0x3FB3] =	sst s0;
	s0 =	simm.s32 @!p2 $0x0  }
0x16: {  	s3 =	sld [smem:$0x3FDB];
	s0 =	simm.s32 @p2 $0x1  }
0x17: {  	s4 =	simm.s32 $0x1BF5;
	[smem:$0x3FB5] =	sst s0  }
0x18: {  	s0 =	sld [smem:$0x3F98];
	_ =	swait.ge [sflag:s4], $0x0  }
0x19: {  	s7 =	sld [smem:$0x3F99]  }
0x1a: {  	s8 =	sadd.s32 $0xFFFFE003, lr  }
0x1b: {  	s9 =	sadd.s32 $0xFFFFFEF7, lr;
	s5 =	simm.s32 $0xFFFFFFFF;
	p2 =	slt.u32 s8, $0xFFFFF086  }
0x1c: {  	p1 =	slt.u32 s9, $0xF7A;
	s5 =	simm.s32 @!p2 $0x0  }
0x1d: {  	s5 =	simm.s32 @p1 $0x1;
	p0 =	seq.s32 s7, s2  }
0x1e: {  	s7 =	smul.u32 @!p0 $0xF7A, s2;
	p2 =	seq.s32 @!p0 s5, $0x0  }
0x1f: {  	s9 =	smul.u32 $0xF7A, s1;
	s8 =	simm.s32 @!p0 $0x1BF5;
	p2 =	por !p2, p0  }
0x20: {  	[sflag:s8] =	ssyncset.s32 @!p0 $0xFFFFF086;
	s6 =	sadd.s32 @!p0 s3, s7;
	s7 =	simm.s32 @!p0 $0x108  }
0x21: {  	s3 =	sadd.s32 s3, s9;
	s6 =	sadd.s32 @!p0 $0x88, s6;
	s7 =	simm.s32 @p2 $0x1082  }
0x22: {  	[simem:s7], [sflag:s8] =	dma.local @!p0 [hbm:s6], $0xF7A  }
0x23: {  	s9 =	sor.u32 $0xD0000000, s2;
	s6 =	simm.s32 $0x108;
	_ =	swait.ge @!p0 [sflag:s8], $0x0  }
0x24: {  	s3 =	sadd.s32 $0x88, s3;
	s6 =	simm.s32 @!p1 $0x1082;
	[sflag:s4] =	ssyncset.s32 $0xFFFFF086  }
0x25: {  	[simem:s6], [sflag:s4] =	dma.local [hbm:s3], $0xF7A  }
0x26: {  	[smem:$0x3F99] =	sst s1;
	(tag) =	ssettag s2;
	_ =	strace s9  }
0x27: {  	s1 =	sld [smem:$0x3FA9]  }
0x28: {  	s2 =	sld [smem:$0x3FAA]  }
0x29: {  	s4 =	sld [smem:$0x3FAC]  }
0x2a: {  	p0 =	seq.s32 s5, $0x0;
	s5 =	sld [smem:$0x3FAD]  }
0x2b: {  	s6 =	sld [smem:$0x3FAE]  }
0x2c: {  	s7 =	sld [smem:$0x3FAF]  }
0x2d: {  	s3 =	simm.s32 $0x108;
	s8 =	sld [smem:$0x3FB0]  }
0x2e: {  	s3 =	simm.s32 @!p0 $0x1082;
	s9 =	sld [smem:$0x3FB1]  }
0x2f: {  	lr =	sadd.s32 s0, s3;
	s0 =	sld [smem:$0x3FA8]  }
0x30: {  	s3 =	sld [smem:$0x3FAB]  }
0x31: {  	[smem:$0x3FB4] =	sst s10  }
0x32: {  	s10 =	sld [smem:$0x3FB2];
	_ =	sdelay $0x3  }
0x33: {  	p0 =	seq.s32 s10, $0x1;
	s10 =	sld [smem:$0x3FB4];
	_ =	sdelay $0x3  }
0x34: {  	[smem:$0x3FB4] =	sst s10  }
0x35: {  	s10 =	sld [smem:$0x3FB3];
	_ =	sdelay $0x3  }
0x36: {  	p1 =	seq.s32 s10, $0x1;
	s10 =	sld [smem:$0x3FB4];
	_ =	sdelay $0x3  }
0x37: {  	[smem:$0x3FB4] =	sst s10  }
0x38: {  	s10 =	sld [smem:$0x3FB5]  }
0x39: {  	_ = 	snop;
	(pc) =	sbr.ind lr, $3  }
0x3a: {  	_ = 	snop  }
0x3b: {  	_ = 	snop  }
0x3c: {  	p2 =	seq.s32 s10, $0x1;
	s10 =	sld [smem:$0x3FB4]  }
0x3d: {  	_ =	shalt  }
0x3e: {  	_ =	shalt  }
0x3f: {  	_ =	shalt  }
0x40: {  	_ =	shalt  }
0x41: {  	_ =	shalt  }
0x42: {  	_ =	shalt  }
0x43: {  	_ =	shalt  }
0x44: {  	_ =	shalt  }
0x45: {  	_ =	shalt  }
0x46: {  	_ =	shalt  }
0x47: {  	_ =	shalt  }
0x48: {  	_ =	shalt  }
0x49: {  	_ =	shalt  }
0x4a: {  	_ =	shalt  }
0x4b: {  	_ =	shalt  }
0x4c: {  	_ =	shalt  }
0x4d: {  	_ =	shalt  }
0x4e: {  	_ =	shalt  }
0x4f: {  	_ =	shalt  }
0x50: {  	_ =	shalt  }
0x51: {  	_ =	shalt  }
0x52: {  	_ =	shalt  }
0x53: {  	_ =	shalt  }
0x54: {  	_ =	shalt  }
0x55: {  	_ =	shalt  }
0x56: {  	_ =	shalt  }
0x57: {  	_ =	shalt  }
0x58: {  	_ =	shalt  }
0x59: {  	_ =	shalt  }
0x5a: {  	_ =	shalt  }
0x5b: {  	_ =	shalt  }
0x5c: {  	_ =	shalt  }
0x5d: {  	_ =	shalt  }
0x5e: {  	_ =	shalt  }
0x5f: {  	_ =	shalt  }
0x60: {  	_ =	shalt  }
0x61: {  	_ =	shalt  }
0x62: {  	_ =	shalt  }
0x63: {  	_ =	shalt  }
0x64: {  	_ =	shalt  }
0x65: {  	_ =	shalt  }
0x66: {  	_ =	shalt  }
0x67: {  	_ =	shalt  }
0x68: {  	_ =	shalt  }
0x69: {  	_ =	shalt  }
0x6a: {  	_ =	shalt  }
0x6b: {  	_ =	shalt  }
0x6c: {  	_ =	shalt  }
0x6d: {  	_ =	shalt  }
0x6e: {  	_ =	shalt  }
0x6f: {  	_ =	shalt  }
0x70: {  	_ =	shalt  }
0x71: {  	_ =	shalt  }
0x72: {  	_ =	shalt  }
0x73: {  	_ =	shalt  }
0x74: {  	_ =	shalt  }
0x75: {  	_ =	shalt  }
0x76: {  	_ =	shalt  }
0x77: {  	_ =	shalt  }
0x78: {  	_ =	shalt  }
0x79: {  	_ =	shalt  }
0x7a: {  	_ =	shalt  }
0x7b: {  	_ =	shalt  }
0x7c: {  	_ =	shalt  }
0x7d: {  	_ =	shalt  }
0x7e: {  	_ =	shalt  }
0x7f: {  	_ =	shalt  }
0x80: {  	_ =	shalt  }
0x81: {  	_ =	shalt  }
0x82: {  	_ =	shalt  }
0x83: {  	_ =	shalt  }
0x84: {  	_ =	shalt  }
0x85: {  	_ =	shalt  }
0x86: {  	_ =	shalt  }
0x87: {  	_ =	shalt  }
.Lfunc_end0:
.L_simem_size_0:
called_computation.1_lowered:
.L_overlay_start_0:
0x88: {  	s2 =	sld [smem:$0x3FD9]  }
0x89: {  	s3 =	sld [smem:$0x3FFE];
	_ =	sdelay $0x1  }
0x8a: {  	s1 =	srdreg.scid  }
0x8b: {  	s0 =	sand.u32 $0x1, s1  }
0x8c: {  	s17 =	sshll.u32 s0, $0xA;
	s2 =	sadd.s32 s3, s2  }
0x8d: {  	s2 =	sadd.s32 s2, s17  }
0x8e: {  	[smem:$0x3FC0] =	sst s2  }
0x8f: {  	_ = 	snop  }
0x90: {  	s2 =	sld [smem:$0x3FD0];
	(tm) =	ssettm $0x1  }
0x91: {  	s18 =	sld [smem:$0x3FFB];
	_ =	sdelay $0x3  }
0x92: {  	_ =	strace s18  }
0x93: {  	s3 =	sld [smem:$0x3FFC];
	_ =	sdelay $0x3  }
0x94: {  	_ =	strace s3  }
0x95: {  	s3 =	sld [smem:$0x3FFD];
	_ =	sdelay $0x3  }
0x96: {  	_ =	strace s3  }
0x97: {  	_ =	strace $0x8FFFFFFF  }
0x98: {  	s19 =	sld [smem:$0x3FDB];
	_ =	sdelay $0x1  }
0x99: {  	s4 =	simm.s32 $_scs_section_size  }
0x9a: {  	s5 =	simm.s32 $_size__tile_overlayer_lowered;
	s6 =	simm.s32 $_tile_overlayer_lowered  }
0x9b: {  	s22 =	simm.s32 $0x1BFF;
	s21 =	sshll.u32 s6, $0x1;
	s3 =	sadd.s32 s4, s19  }
0x9c: {  	s7 =	simm.s32 $0x0;
	s20 =	sshll.u32 s5, $0x1;
	s5 =	sadd.s32 s21, s3  }
0x9d: {  	[timem:s7], [sflag:s22] =	dma.local [hbm:s5], s20  }
0x9e: {  	_ =	swait.ge [sflag:s22], s20  }
0x9f: {  	s4 =	ssub.s32 $0x0, s20;
	[sflag:s22] =	ssyncset.done $0x0  }
0xa0: {  	[sflag:s22] =	ssyncadd.s32 s4;
	_ =	sdelay $0x1  }
0xa1: {  	s23 =	simm.s32 $0x1B8B  }
0xa2: {  	_ =	swait.ge [sflag:s23], $0x1  }
0xa3: {  	[sflag:s23] =	ssyncset.done $0x0  }
0xa4: {  	s25 =	simm.s32 $0x1B8E;
	s24 =	sld [smem:$0x3FFE];
	[sflag:s23] =	ssyncadd.s32 $0xFFFFFFFF  }
0xa5: {  	s26 =	simm.s32 $execute0_lowered;
	[smem:$0x3FD2] =	sst s25  }
0xa6: {  	s5 =	sshll.u32 s26, $0x1;
	_ =	strace $0x80000049;
	[dreg:$0x1] =	wrdreg $0xFFFFFFFF  }
0xa7: {  	s28 =	simm.s32 $_size_execute0_lowered;
	s3 =	sadd.s32 s3, s5;
	[dreg:$0x0] =	wrdreg $0x0  }
0xa8: {  	s5 =	sshll.u32 s28, $0x1;
	[dreg:$0x2] =	wrdreg s3  }
0xa9: {  	[dreg:$0x3] =	wrdreg s5  }
0xaa: {  	[dreg:$0x4] =	wrdreg $0xC0  }
0xab: {  	_ =	task [dreg:s7], $0x5FFFF  }
0xac: {  	[dreg:$0x1] =	wrdreg $0xFFFFFFFF  }
0xad: {  	[dreg:$0x0] =	wrdreg $0x60  }
0xae: {  	[dreg:$0x2] =	wrdreg s24  }
0xaf: {  	[dreg:$0x3] =	wrdreg s2  }
0xb0: {  	[dreg:$0x4] =	wrdreg $0x88000  }
0xb1: {  	[dreg:$0x5] =	wrdreg $0x9  }
0xb2: {  	_ =	task.clear_ibuf [dreg:s7], $0x6FFFF;
	_ =	strace $0x90000049  }
0xb3: {  	s29 =	simm.s32 $0x9;
	_ =	strace $0x8000004B  }
0xb4: {  	_ =	swait.ge [sflag:s29], $0x1  }
0xb5: {  	[sflag:s29] =	ssyncadd.s32 $0xFFFFFFFF  }
0xb6: {  	_ =	strace $0x9000004B  }
0xb7: {  	_ =	sfence  }
0xb8: {  	s30 =	sld [smem:$0x0];
	_ =	sdelay $0x2  }
0xb9: {  	s31 =	sshll.u32 s1, $0xD;
	s1 =	sshrl.u32 s1, $0x2  }
0xba: {  	s3 =	sand.u32 $0x4000, s31;
	s1 =	sadd.s32 s1, s30  }
0xbb: {  	s0 =	sor.u32 s3, s0;
	s1 =	sshll.u32 s1, $0x11  }
0xbc: {  	s0 =	sor.u32 s1, s0  }
0xbd: {  	s0 =	sadd.s32 $0x8F2B, s0  }
0xbe: {  	[sflag:s0] =	ssyncadd.remote.s32 $0x1  }
0xbf: {  	_ =	sfence.sel $0xFFFF  }
0xc0: {  	[dreg:$0x0] =	wrdreg $0xFFFFFFFF;
	(pc) =	sbr.abs _section_cstart, $3  }
0xc1: {  	[dreg:$0x1] =	wrdreg $0xFFFFFFFF  }
0xc2: {  	_ =	task.clear_ibuf [dreg:s7], $0x2FFFF;
	_ =	strace $0x9FFFFFFF  }
0xc3: {  	(tm) =	ssettm $0x7FFFFFFF  }
tec
execute0_lowered:
.L_overlay_start_1:
0x0: {  	(tag) =	ssettag $0x1  }
0x1: {  	s0 =	rddreg [dreg:$0x0]  }
0x2: {  	s1 =	srdreg.scid;
	s11 =	stileid.u32  }
0x3: {  	s3 =	rddreg [dreg:$0x2];
	s4 =	simm.s32 $0x0;
	s16 =	simm.s32 $0x7  }
0x4: {  	s18 =	simm.s32 $0x400;
	s19 =	simm.s32 $0x1;
	s20 =	simm.s32 $0x40  }
0x5: {  	s21 =	simm.s32 $0x800;
	s28 =	simm.s32 $0x600;
	s29 =	simm.s32 $0x2  }
0x6: {  	s30 =	simm.s32 $0x4800;
	s12 =	simm.s32 $0x500;
	s15 =	simm.s32 $0x680  }
0x7: {  	s17 =	simm.s32 $0x780;
	s31 =	simm.s32 $0x0;
	s5 =	smul.u32 $0x14000, s11  }
0x8: {  	s1 =	sand.u32 $0x1, s1;
	[smem:$0x7FF] =	sst s4;
	s22 =	smul.u32 $0x50000, s11  }
0x9: {  	s6 =	sadd.s32 $0x1C00, s0;
	s10 =	smul.u32 $0x50, s11;
	s23 =	sshll.u32 s11, $0x6  }
0xa: {  	s2 =	smul.u32 $0x140000, s1;
	_ =	strace $0x8000004A;
	s7 =	ssub.s32 $0x2, s1  }
0xb: {  	s8 =	sshll.u32 s1, $0x4;
	s1 =	smul.u32 $0x500, s1;
	s25 =	sor.u32 $0x1C07, s23  }
0xc: {  	s23 =	simm.s32 $0x2800;
	s9 =	sshrl.u32 s7, $0x1;
	s8 =	sor.u32 s11, s8  }
0xd: {  	s11 =	simm.s32 $0x480;
	[dreg:$0x4] =	wrdreg s25;
	s2 =	sadd.s32 s5, s2  }
0xe: {  	s5 =	sadd.s32 $0x29C00, s0;
	s7 =	ssub.s32 s7, s9;
	s8 =	smul.u32 $0x1400, s8  }
0xf: {  	s1 =	sadd.s32 s10, s1;
	s9 =	simm.s32 $0x3;
	s2 =	sshrl.u32 s2, $0x3  }
0x10: {  	s1 =	sshll.u32 s1, $0x6;
	s26 =	smax.u32 s7, $0x1;
	s7 =	simm.s32 $0x580  }
0x11: {  	s0 =	sadd.s32 s2, s0;
	s2 =	sshrl.u32 s22, $0x2;
	s8 =	sadd.s32 s6, s8  }
0x12: {  	s10 =	sadd.s32 s1, s6;
	[dreg:$0x9] =	wrdreg s26;
	s1 =	simm.s32 $0x6800  }
0x13: {  	s6 =	simm.s32 $0x4;
	s22 =	simm.s32 $0x700;
	s2 =	sadd.s32 s2, s3  }
.Ltmp0:
0x14: {  	s24 =	sadd.s32 $0x40, s8;
	[dreg:$0x5] =	wrdreg s8;
	(pc) =	sbr.rel .LBB2_1-.Ltmp0, $4  }
0x15: {  	s8 =	sadd.s32 $0x80, s8;
	s0 =	sadd.s32 $0x51C00, s0;
	[dreg:$0x6] =	wrdreg s24  }
0x16: {  	s13 =	sadd.s32 $0x180, s10;
	s14 =	sadd.s32 $0x100, s10;
	[dreg:$0x7] =	wrdreg s8  }
0x17: {  	[dreg:$0x8] =	wrdreg s0;
	s26 =	sshrl.u32 s2, $0x3;
	s24 =	simm.s32 $0x5  }
0x18: {  	s0 =	simm.s32 $0x6;
	s8 =	simm.s32 $0x380;
	[dreg:$0xa] =	wrdreg s26  }
.LBB2_4:
0x19: {  	[bflag:$0x0] =	sbarrier.arrive $0xFFFF  }
0x1a: {  	s25 =	rddreg [dreg:$0x4]  }
0x1b: {  	s2 =	rddreg [dreg:$0x8]  }
0x1c: {  	s26 =	rddreg [dreg:$0xa]  }
0x1d: {  	[hbm:s2], [sflag:s25] =	dma.local [spmem:s26], $0x2800  }
0x1e: {  	_ =	swait.ge [sflag:s16], $0x2800  }
0x1f: {  	s31 =	rddreg [dreg:$0xb]  }
0x20: {  	s2 =	rddreg [dreg:$0x9];
	s31 =	sadd.s32 $0x1, s31  }
0x21: {  	p0 =	sne.s32 s31, s2  }
.Ltmp1:
0x22: {  	_ = 	snop;
	(pc) =	sbr.rel @!p0 .LBB2_5-.Ltmp1, $3  }
0x23: {  	_ =	sdelay $0x1  }
0x24: {  	[sflag:s16] =	ssyncset.done $0x0  }
0x25: {  	[sflag:s16] =	ssyncadd.s32 $0xFFFFD800  }
.LBB2_1:
0x26: {  	[dreg:$0xb] =	wrdreg s31  }
0x27: {  	s2 =	rddreg [dreg:$0x1]  }
0x28: {  	[spmem:s26], [sflag:s25] =	dma.local [hbm:s2], $0x2800  }
0x29: {  	_ =	swait.ge [sflag:s16], $0x2800  }
0x2a: {  	[sflag:s16] =	ssyncset.done $0x0  }
0x2b: {  	[sflag:s16] =	ssyncadd.s32 $0xFFFFD800  }
0x2c: {  	[bflag:$0x0] =	sbarrier.arrive $0xFFFF  }
0x2d: {  	s25 =	rddreg [dreg:$0x5]  }
0x2e: {  	[tilespmem:s4], [sflag:$0x1] =	stream.linear.gather [hbm4b:s25+s4], $0x200, $0x38;
	[tilespmem:$0x1C800] =	vst v63  }
0x2f: {  	s31 =	simm.s32 $0x200;
	s26 =	rddreg [dreg:$0x6]  }
0x30: {  	[tilespmem:s31], [sflag:$0x2] =	stream.linear.gather [hbm4b:s26+s4], $0x200, $0x38;
	[tilespmem:$0x1C800] =	vst v63  }
0x31: {  	s26 =	rddreg [dreg:$0x7]  }
0x32: {  	[tilespmem:s18], [sflag:$0x3] =	stream.linear.gather [hbm4b:s26+s4], $0x200, $0x38;
	[tilespmem:$0x1C800] =	vst v63  }
0x33: {  	_ =	swait.ge [sflag:s19], $0x200  }
0x34: {  	[sflag:s19] =	ssyncset.done $0x0  }
0x35: {  	[sflag:s19] =	ssyncadd.s32 $0xFFFFFE00  }
0x36: {  	[tilespmem:s21], [sflag:$0x5] =	stream.indirect.gather [hbm4b:s5+s20], $0x80, s4, s20, $0xb8;
	[tilespmem:$0x1C800] =	vst v63  }
0x37: {  	s25 =	simm.s32 $0x0;
	s31 =	simm.s32 $0x80  }
0x38: {  	[tilespmem:s23], [sflag:$0x5] =	stream.indirect.gather [hbm4b:s5+s20], $0x80, s31, s20, $0xb8;
	[tilespmem:$0x1C800] =	vst v63  }
.LBB2_2:
0x39: {  	_ =	swait.ge [sflag:s24], $0x2000  }
0x3a: {  	[sflag:s24] =	ssyncset.done $0x0  }
0x3b: {  	[sflag:s24] =	ssyncadd.s32 $0xFFFFE000  }
0x3c: {  	_ =	swait.ge [sflag:s24], $0x2000  }
0x3d: {  	[sflag:s24] =	ssyncset.done $0x0  }
0x3e: {  	s2 =	simm.s32 $0x100;
	[sflag:s24] =	ssyncadd.s32 $0xFFFFE000  }
0x3f: {  	[spmem:s3] =	stream.indirect.scatter.add.f32 [tilespmem:s21], [sflag:$0x7], $0x80, s2, s20, $0xb8;
	[tilespmem:$0x1C800] =	vst v63  }
0x40: {  	_ =	swait.ge [sflag:s16], $0x2000  }
0x41: {  	[sflag:s16] =	ssyncset.done $0x0  }
0x42: {  	s26 =	simm.s32 $0x180;
	[sflag:s16] =	ssyncadd.s32 $0xFFFFE000  }
0x43: {  	[spmem:s3] =	stream.indirect.scatter.add.f32 [tilespmem:s23], [sflag:$0x7], $0x80, s26, s20, $0xb8;
	[tilespmem:$0x1C800] =	vst v63  }
0x44: {  	_ =	swait.ge [sflag:s16], $0x2000  }
0x45: {  	s26 =	sadd.s32 s25, s10;
	[sflag:s16] =	ssyncset.done $0x0  }
0x46: {  	s26 =	sadd.s32 $0xC0, s26;
	[sflag:s16] =	ssyncadd.s32 $0xFFFFE000  }
0x47: {  	[tilespmem:s28], [sflag:$0x4] =	stream.linear.gather [hbm4b:s26+s4], $0x200, $0x38;
	[tilespmem:$0x1C800] =	vst v63  }
0x48: {  	_ =	swait.ge [sflag:s29], $0x200  }
0x49: {  	[sflag:s29] =	ssyncset.done $0x0  }
0x4a: {  	s31 =	simm.s32 $0x200;
	[sflag:s29] =	ssyncadd.s32 $0xFFFFFE00  }
0x4b: {  	[tilespmem:s30], [sflag:$0x6] =	stream.indirect.gather [hbm4b:s5+s20], $0x80, s31, s20, $0xb8;
	[tilespmem:$0x1C800] =	vst v63  }
0x4c: {  	s26 =	simm.s32 $0x280  }
0x4d: {  	[tilespmem:s1], [sflag:$0x6] =	stream.indirect.gather [hbm4b:s5+s20], $0x80, s26, s20, $0xb8;
	[tilespmem:$0x1C800] =	vst v63  }
0x4e: {  	_ =	swait.ge [sflag:s0], $0x2000  }
0x4f: {  	[sflag:s0] =	ssyncset.done $0x0  }
0x50: {  	[sflag:s0] =	ssyncadd.s32 $0xFFFFE000  }
0x51: {  	_ =	swait.ge [sflag:s0], $0x2000  }
0x52: {  	[sflag:s0] =	ssyncset.done $0x0  }
0x53: {  	s31 =	simm.s32 $0x300;
	[sflag:s0] =	ssyncadd.s32 $0xFFFFE000  }
0x54: {  	[spmem:s3] =	stream.indirect.scatter.add.f32 [tilespmem:s30], [sflag:$0x7], $0x80, s31, s20, $0xb8;
	[tilespmem:$0x1C800] =	vst v63  }
0x55: {  	_ =	swait.ge [sflag:s16], $0x2000  }
0x56: {  	[sflag:s16] =	ssyncset.done $0x0  }
0x57: {  	[sflag:s16] =	ssyncadd.s32 $0xFFFFE000  }
0x58: {  	[spmem:s3] =	stream.indirect.scatter.add.f32 [tilespmem:s1], [sflag:$0x7], $0x80, s8, s20, $0xb8;
	[tilespmem:$0x1C800] =	vst v63  }
0x59: {  	_ =	swait.ge [sflag:s16], $0x2000  }
0x5a: {  	p0 =	seq.s32 s25, $0x1300;
	[sflag:s16] =	ssyncset.done $0x0  }
0x5b: {  	s26 =	sadd.s32 @!p0 s25, s14;
	s31 =	simm.s32 @!p0 $0x0;
	[sflag:s16] =	ssyncadd.s32 $0xFFFFE000  }
0x5c: {  	[tilespmem:s31], [sflag:$0x1] =	stream.linear.gather @!p0 [hbm4b:s26+s31], $0x200, $0x38;
	[tilespmem:$0x1C800] =	vst v63  }
0x5d: {  	_ =	swait.ge [sflag:s9], $0x200  }
0x5e: {  	[sflag:s9] =	ssyncset.done $0x0  }
0x5f: {  	[sflag:s9] =	ssyncadd.s32 $0xFFFFFE00  }
0x60: {  	[tilespmem:s21], [sflag:$0x5] =	stream.indirect.gather [hbm4b:s5+s20], $0x80, s18, s20, $0xb8;
	[tilespmem:$0x1C800] =	vst v63  }
0x61: {  	_ = 	snop  }
0x62: {  	[tilespmem:s23], [sflag:$0x5] =	stream.indirect.gather [hbm4b:s5+s20], $0x80, s11, s20, $0xb8;
	[tilespmem:$0x1C800] =	vst v63  }
0x63: {  	_ =	swait.ge [sflag:s24], $0x2000  }
0x64: {  	[sflag:s24] =	ssyncset.done $0x0  }
0x65: {  	[sflag:s24] =	ssyncadd.s32 $0xFFFFE000  }
0x66: {  	_ =	swait.ge [sflag:s24], $0x2000  }
0x67: {  	[sflag:s24] =	ssyncset.done $0x0  }
0x68: {  	[sflag:s24] =	ssyncadd.s32 $0xFFFFE000  }
0x69: {  	[spmem:s3] =	stream.indirect.scatter.add.f32 [tilespmem:s21], [sflag:$0x7], $0x80, s12, s20, $0xb8;
	[tilespmem:$0x1C800] =	vst v63  }
0x6a: {  	_ =	swait.ge [sflag:s16], $0x2000  }
0x6b: {  	[sflag:s16] =	ssyncset.done $0x0  }
0x6c: {  	[sflag:s16] =	ssyncadd.s32 $0xFFFFE000  }
0x6d: {  	[spmem:s3] =	stream.indirect.scatter.add.f32 [tilespmem:s23], [sflag:$0x7], $0x80, s7, s20, $0xb8;
	[tilespmem:$0x1C800] =	vst v63  }
0x6e: {  	_ =	swait.ge [sflag:s16], $0x2000  }
0x6f: {  	s26 =	sadd.s32 @!p0 s25, s10;
	[sflag:s16] =	ssyncset.done $0x0  }
0x70: {  	s2 =	simm.s32 @!p0 $0x200;
	s26 =	sadd.s32 @!p0 $0x140, s26;
	[sflag:s16] =	ssyncadd.s32 $0xFFFFE000  }
0x71: {  	[tilespmem:s2], [sflag:$0x2] =	stream.linear.gather @!p0 [hbm4b:s26+s31], $0x200, $0x38;
	[tilespmem:$0x1C800] =	vst v63  }
0x72: {  	_ =	swait.ge [sflag:s6], $0x200  }
0x73: {  	[sflag:s6] =	ssyncset.done $0x0  }
0x74: {  	[sflag:s6] =	ssyncadd.s32 $0xFFFFFE00  }
0x75: {  	[tilespmem:s30], [sflag:$0x6] =	stream.indirect.gather [hbm4b:s5+s20], $0x80, s28, s20, $0xb8;
	[tilespmem:$0x1C800] =	vst v63  }
0x76: {  	_ = 	snop  }
0x77: {  	[tilespmem:s1], [sflag:$0x6] =	stream.indirect.gather [hbm4b:s5+s20], $0x80, s15, s20, $0xb8;
	[tilespmem:$0x1C800] =	vst v63  }
0x78: {  	_ =	swait.ge [sflag:s0], $0x2000  }
0x79: {  	[sflag:s0] =	ssyncset.done $0x0  }
0x7a: {  	[sflag:s0] =	ssyncadd.s32 $0xFFFFE000  }
0x7b: {  	_ =	swait.ge [sflag:s0], $0x2000  }
0x7c: {  	[sflag:s0] =	ssyncset.done $0x0  }
0x7d: {  	[sflag:s0] =	ssyncadd.s32 $0xFFFFE000  }
0x7e: {  	[spmem:s3] =	stream.indirect.scatter.add.f32 [tilespmem:s30], [sflag:$0x7], $0x80, s22, s20, $0xb8;
	[tilespmem:$0x1C800] =	vst v63  }
0x7f: {  	_ =	swait.ge [sflag:s16], $0x2000  }
0x80: {  	[sflag:s16] =	ssyncset.done $0x0  }
.Ltmp2:
0x81: {  	[sflag:s16] =	ssyncadd.s32 $0xFFFFE000;
	(pc) =	sbr.rel @p0 .LBB2_4-.Ltmp2, $4  }
0x82: {  	[spmem:s3] =	stream.indirect.scatter.add.f32 [tilespmem:s1], [sflag:$0x7], $0x80, s17, s20, $0xb8;
	[tilespmem:$0x1C800] =	vst v63  }
0x83: {  	_ =	swait.ge [sflag:s16], $0x2000  }
0x84: {  	[sflag:s16] =	ssyncset.done $0x0  }
0x85: {  	[sflag:s16] =	ssyncadd.s32 $0xFFFFE000  }
0x86: {  	s2 =	sadd.s32 s25, s13  }
0x87: {  	[tilespmem:s18], [sflag:$0x3] =	stream.linear.gather [hbm4b:s2+s4], $0x200, $0x38;
	[tilespmem:$0x1C800] =	vst v63  }
0x88: {  	_ =	swait.ge [sflag:s19], $0x200  }
.Ltmp3:
0x89: {  	[sflag:s19] =	ssyncset.done $0x0;
	(pc) =	sbr.rel .LBB2_2-.Ltmp3, $4  }
0x8a: {  	[sflag:s19] =	ssyncadd.s32 $0xFFFFFE00  }
0x8b: {  	[tilespmem:s21], [sflag:$0x5] =	stream.indirect.gather [hbm4b:s5+s20], $0x80, s4, s20, $0xb8;
	[tilespmem:$0x1C800] =	vst v63  }
0x8c: {  	s31 =	simm.s32 $0x80;
	s25 =	sadd.s32 $0x100, s25  }
0x8d: {  	[tilespmem:s23], [sflag:$0x5] =	stream.indirect.gather [hbm4b:s5+s20], $0x80, s31, s20, $0xb8;
	[tilespmem:$0x1C800] =	vst v63  }
.LBB2_5:
0x8e: {  	_ =	sfence.sel $0x180000  }
0x8f: {  	[bflag:$0x0] =	sbarrier.arrive $0xFFFF  }
0x90: {  	_ =	strace $0x9000004A  }
0x91: {  	s0 =	stileid.u32;
	[bflag:$0x2] =	sbarrier.arrive $0xFFFF  }
0x92: {  	p0 =	sne.s32 s0, $0x0;
	s0 =	rddreg [dreg:$0x3]  }
0x93: {  	s0 =	sadd.s32 @!p0 $0x100000, s0  }
0x94: {  	[sflag:s0] =	ssyncadd.tile.s32 @!p0 $0x1;
	_ =	shalt  }
.Lfunc_end2:
_tile_overlayer_lowered:
.L_overlay_start_2:
0x95: {  	(tag) =	ssettag $0x2  }
0x96: {  	s0 =	rddreg [dreg:$0x0];
	s2 =	stileid.u32  }
0x97: {  	s1 =	rddreg [dreg:$0x1];
	p0 =	sne.s32 s2, $0x0  }
0x98: {  	s3 =	rddreg [dreg:$0x2];
	[bflag:$0x3] =	sbarrier.arrive $0xFFFF;
	s2 =	simm.s32 @!p0 $0x1C07  }
0x99: {  	[timem:s3], [sflag:s2] =	dma.local @!p0 [hbm:s0], s1  }
0x9a: {  	s0 =	simm.s32 @!p0 $0x7  }
0x9b: {  	_ =	swait.ge @!p0 [sflag:s0], s1  }
0x9c: {  	s1 =	ssub.s32 @!p0 $0x0, s1;
	[sflag:s0] =	ssyncset.done @!p0 $0x0  }
0x9d: {  	[sflag:s0] =	ssyncadd.s32 @!p0 s1  }
0x9e: {  	[bflag:$0x3] =	sbarrier.arrive $0xFFFF  }
0x9f: {  	_ =	shalt  }

// kernel: kernel.7.cloned.1.call-start
scs
__scs_entry_jumppad:
0x0: {  	(pc) =	sbr.rel $0x88, $3  }
0x1: {  	(tag) =	ssettag $0x0;
	lr =	simm.s32 $0x1  }
0x2: {  	[smem:$0x3F99] =	sst lr;
	_ =	strace $0xD0000000  }
0x3: {  	_ = 	snop  }
0x4: {  	_ = 	snop  }
0x5: {  	_ = 	snop  }
0x6: {  	_ = 	snop  }
0x7: {  	_ = 	snop  }
__scs_overlays_trampoline_lowered:
0x8: {  	[smem:$0x3FA8] =	sst s0  }
0x9: {  	[smem:$0x3FA9] =	sst s1  }
0xa: {  	[smem:$0x3FAA] =	sst s2  }
0xb: {  	[smem:$0x3FAB] =	sst s3  }
0xc: {  	[smem:$0x3FAC] =	sst s4  }
0xd: {  	[smem:$0x3FAD] =	sst s5  }
0xe: {  	[smem:$0x3FAE] =	sst s6  }
0xf: {  	[smem:$0x3FAF] =	sst s7  }
0x10: {  	[smem:$0x3FB0] =	sst s8  }
0x11: {  	[smem:$0x3FB1] =	sst s9;
	s0 =	simm.s32 @!p0 $0x0  }
0x12: {  	s1 =	sld [smem:$0x3F97];
	s0 =	simm.s32 @p0 $0x1  }
0x13: {  	[smem:$0x3FB2] =	sst s0;
	s0 =	simm.s32 @!p1 $0x0  }
0x14: {  	s2 =	sld [smem:$0x3F96];
	s0 =	simm.s32 @p1 $0x1  }
0x15: {  	[smem:$0x3FB3] =	sst s0;
	s0 =	simm.s32 @!p2 $0x0  }
0x16: {  	s3 =	sld [smem:$0x3FDB];
	s0 =	simm.s32 @p2 $0x1  }
0x17: {  	s4 =	simm.s32 $0x1BF5;
	[smem:$0x3FB5] =	sst s0  }
0x18: {  	s0 =	sld [smem:$0x3F98];
	_ =	swait.ge [sflag:s4], $0x0  }
0x19: {  	s7 =	sld [smem:$0x3F99]  }
0x1a: {  	s8 =	sadd.s32 $0xFFFFE003, lr  }
0x1b: {  	s9 =	sadd.s32 $0xFFFFFEF7, lr;
	s5 =	simm.s32 $0xFFFFFFFF;
	p2 =	slt.u32 s8, $0xFFFFF086  }
0x1c: {  	p1 =	slt.u32 s9, $0xF7A;
	s5 =	simm.s32 @!p2 $0x0  }
0x1d: {  	s5 =	simm.s32 @p1 $0x1;
	p0 =	seq.s32 s7, s2  }
0x1e: {  	s7 =	smul.u32 @!p0 $0xF7A, s2;
	p2 =	seq.s32 @!p0 s5, $0x0  }
0x1f: {  	s9 =	smul.u32 $0xF7A, s1;
	s8 =	simm.s32 @!p0 $0x1BF5;
	p2 =	por !p2, p0  }
0x20: {  	[sflag:s8] =	ssyncset.s32 @!p0 $0xFFFFF086;
	s6 =	sadd.s32 @!p0 s3, s7;
	s7 =	simm.s32 @!p0 $0x108  }
0x21: {  	s3 =	sadd.s32 s3, s9;
	s6 =	sadd.s32 @!p0 $0x88, s6;
	s7 =	simm.s32 @p2 $0x1082  }
0x22: {  	[simem:s7], [sflag:s8] =	dma.local @!p0 [hbm:s6], $0xF7A  }
0x23: {  	s9 =	sor.u32 $0xD0000000, s2;
	s6 =	simm.s32 $0x108;
	_ =	swait.ge @!p0 [sflag:s8], $0x0  }
0x24: {  	s3 =	sadd.s32 $0x88, s3;
	s6 =	simm.s32 @!p1 $0x1082;
	[sflag:s4] =	ssyncset.s32 $0xFFFFF086  }
0x25: {  	[simem:s6], [sflag:s4] =	dma.local [hbm:s3], $0xF7A  }
0x26: {  	[smem:$0x3F99] =	sst s1;
	(tag) =	ssettag s2;
	_ =	strace s9  }
0x27: {  	s1 =	sld [smem:$0x3FA9]  }
0x28: {  	s2 =	sld [smem:$0x3FAA]  }
0x29: {  	s4 =	sld [smem:$0x3FAC]  }
0x2a: {  	p0 =	seq.s32 s5, $0x0;
	s5 =	sld [smem:$0x3FAD]  }
0x2b: {  	s6 =	sld [smem:$0x3FAE]  }
0x2c: {  	s7 =	sld [smem:$0x3FAF]  }
0x2d: {  	s3 =	simm.s32 $0x108;
	s8 =	sld [smem:$0x3FB0]  }
0x2e: {  	s3 =	simm.s32 @!p0 $0x1082;
	s9 =	sld [smem:$0x3FB1]  }
0x2f: {  	lr =	sadd.s32 s0, s3;
	s0 =	sld [smem:$0x3FA8]  }
0x30: {  	s3 =	sld [smem:$0x3FAB]  }
0x31: {  	[smem:$0x3FB4] =	sst s10  }
0x32: {  	s10 =	sld [smem:$0x3FB2];
	_ =	sdelay $0x3  }
0x33: {  	p0 =	seq.s32 s10, $0x1;
	s10 =	sld [smem:$0x3FB4];
	_ =	sdelay $0x3  }
0x34: {  	[smem:$0x3FB4] =	sst s10  }
0x35: {  	s10 =	sld [smem:$0x3FB3];
	_ =	sdelay $0x3  }
0x36: {  	p1 =	seq.s32 s10, $0x1;
	s10 =	sld [smem:$0x3FB4];
	_ =	sdelay $0x3  }
0x37: {  	[smem:$0x3FB4] =	sst s10  }
0x38: {  	s10 =	sld [smem:$0x3FB5]  }
0x39: {  	_ = 	snop;
	(pc) =	sbr.ind lr, $3  }
0x3a: {  	_ = 	snop  }
0x3b: {  	_ = 	snop  }
0x3c: {  	p2 =	seq.s32 s10, $0x1;
	s10 =	sld [smem:$0x3FB4]  }
0x3d: {  	_ =	shalt  }
0x3e: {  	_ =	shalt  }
0x3f: {  	_ =	shalt  }
0x40: {  	_ =	shalt  }
0x41: {  	_ =	shalt  }
0x42: {  	_ =	shalt  }
0x43: {  	_ =	shalt  }
0x44: {  	_ =	shalt  }
0x45: {  	_ =	shalt  }
0x46: {  	_ =	shalt  }
0x47: {  	_ =	shalt  }
0x48: {  	_ =	shalt  }
0x49: {  	_ =	shalt  }
0x4a: {  	_ =	shalt  }
0x4b: {  	_ =	shalt  }
0x4c: {  	_ =	shalt  }
0x4d: {  	_ =	shalt  }
0x4e: {  	_ =	shalt  }
0x4f: {  	_ =	shalt  }
0x50: {  	_ =	shalt  }
0x51: {  	_ =	shalt  }
0x52: {  	_ =	shalt  }
0x53: {  	_ =	shalt  }
0x54: {  	_ =	shalt  }
0x55: {  	_ =	shalt  }
0x56: {  	_ =	shalt  }
0x57: {  	_ =	shalt  }
0x58: {  	_ =	shalt  }
0x59: {  	_ =	shalt  }
0x5a: {  	_ =	shalt  }
0x5b: {  	_ =	shalt  }
0x5c: {  	_ =	shalt  }
0x5d: {  	_ =	shalt  }
0x5e: {  	_ =	shalt  }
0x5f: {  	_ =	shalt  }
0x60: {  	_ =	shalt  }
0x61: {  	_ =	shalt  }
0x62: {  	_ =	shalt  }
0x63: {  	_ =	shalt  }
0x64: {  	_ =	shalt  }
0x65: {  	_ =	shalt  }
0x66: {  	_ =	shalt  }
0x67: {  	_ =	shalt  }
0x68: {  	_ =	shalt  }
0x69: {  	_ =	shalt  }
0x6a: {  	_ =	shalt  }
0x6b: {  	_ =	shalt  }
0x6c: {  	_ =	shalt  }
0x6d: {  	_ =	shalt  }
0x6e: {  	_ =	shalt  }
0x6f: {  	_ =	shalt  }
0x70: {  	_ =	shalt  }
0x71: {  	_ =	shalt  }
0x72: {  	_ =	shalt  }
0x73: {  	_ =	shalt  }
0x74: {  	_ =	shalt  }
0x75: {  	_ =	shalt  }
0x76: {  	_ =	shalt  }
0x77: {  	_ =	shalt  }
0x78: {  	_ =	shalt  }
0x79: {  	_ =	shalt  }
0x7a: {  	_ =	shalt  }
0x7b: {  	_ =	shalt  }
0x7c: {  	_ =	shalt  }
0x7d: {  	_ =	shalt  }
0x7e: {  	_ =	shalt  }
0x7f: {  	_ =	shalt  }
0x80: {  	_ =	shalt  }
0x81: {  	_ =	shalt  }
0x82: {  	_ =	shalt  }
0x83: {  	_ =	shalt  }
0x84: {  	_ =	shalt  }
0x85: {  	_ =	shalt  }
0x86: {  	_ =	shalt  }
0x87: {  	_ =	shalt  }
.Lfunc_end0:
.L_simem_size_0:
called_computation_lowered:
.L_overlay_start_0:
0x88: {  	s2 =	sld [smem:$0x3FD9]  }
0x89: {  	s3 =	sld [smem:$0x3FFE];
	_ =	sdelay $0x1  }
0x8a: {  	s1 =	srdreg.scid  }
0x8b: {  	s0 =	sand.u32 $0x1, s1  }
0x8c: {  	s17 =	sshll.u32 s0, $0xA;
	s2 =	sadd.s32 s3, s2  }
0x8d: {  	s2 =	sadd.s32 s2, s17  }
0x8e: {  	[smem:$0x3FC0] =	sst s2  }
0x8f: {  	_ = 	snop  }
0x90: {  	s2 =	sld [smem:$0x3FD0];
	(tm) =	ssettm $0x1  }
0x91: {  	s18 =	sld [smem:$0x3FFB];
	_ =	sdelay $0x3  }
0x92: {  	_ =	strace s18  }
0x93: {  	s3 =	sld [smem:$0x3FFC];
	_ =	sdelay $0x3  }
0x94: {  	_ =	strace s3  }
0x95: {  	s3 =	sld [smem:$0x3FFD];
	_ =	sdelay $0x3  }
0x96: {  	_ =	strace s3  }
0x97: {  	_ =	strace $0x8FFFFFFF  }
0x98: {  	s19 =	sld [smem:$0x3FDB];
	_ =	sdelay $0x1  }
0x99: {  	s4 =	simm.s32 $_scs_section_size  }
0x9a: {  	s5 =	simm.s32 $_size__tile_overlayer_lowered;
	s6 =	simm.s32 $_tile_overlayer_lowered  }
0x9b: {  	s22 =	simm.s32 $0x1BFF;
	s21 =	sshll.u32 s6, $0x1;
	s3 =	sadd.s32 s4, s19  }
0x9c: {  	s7 =	simm.s32 $0x0;
	s20 =	sshll.u32 s5, $0x1;
	s5 =	sadd.s32 s21, s3  }
0x9d: {  	[timem:s7], [sflag:s22] =	dma.local [hbm:s5], s20  }
0x9e: {  	_ =	swait.ge [sflag:s22], s20  }
0x9f: {  	s4 =	ssub.s32 $0x0, s20;
	[sflag:s22] =	ssyncset.done $0x0  }
0xa0: {  	[sflag:s22] =	ssyncadd.s32 s4;
	_ =	sdelay $0x1  }
0xa1: {  	s23 =	simm.s32 $0x1B8B  }
0xa2: {  	_ =	swait.ge [sflag:s23], $0x1  }
0xa3: {  	[sflag:s23] =	ssyncset.done $0x0  }
0xa4: {  	s25 =	simm.s32 $0x1B8E;
	s24 =	sld [smem:$0x3FFE];
	[sflag:s23] =	ssyncadd.s32 $0xFFFFFFFF  }
0xa5: {  	s26 =	simm.s32 $execute0_lowered;
	[smem:$0x3FD2] =	sst s25  }
0xa6: {  	s5 =	sshll.u32 s26, $0x1;
	_ =	strace $0x80000046;
	[dreg:$0x1] =	wrdreg $0xFFFFFFFF  }
0xa7: {  	s28 =	simm.s32 $_size_execute0_lowered;
	s3 =	sadd.s32 s3, s5;
	[dreg:$0x0] =	wrdreg $0x0  }
0xa8: {  	s5 =	sshll.u32 s28, $0x1;
	[dreg:$0x2] =	wrdreg s3  }
0xa9: {  	[dreg:$0x3] =	wrdreg s5  }
0xaa: {  	[dreg:$0x4] =	wrdreg $0xC0  }
0xab: {  	_ =	task [dreg:s7], $0x5FFFF  }
0xac: {  	[dreg:$0x1] =	wrdreg $0xFFFFFFFF  }
0xad: {  	[dreg:$0x0] =	wrdreg $0x60  }
0xae: {  	[dreg:$0x2] =	wrdreg s24  }
0xaf: {  	[dreg:$0x3] =	wrdreg s2  }
0xb0: {  	[dreg:$0x4] =	wrdreg $0x88000  }
0xb1: {  	[dreg:$0x5] =	wrdreg $0x9  }
0xb2: {  	_ =	task.clear_ibuf [dreg:s7], $0x6FFFF;
	_ =	strace $0x90000046  }
0xb3: {  	s29 =	simm.s32 $0x9;
	_ =	strace $0x80000048  }
0xb4: {  	_ =	swait.ge [sflag:s29], $0x1  }
0xb5: {  	[sflag:s29] =	ssyncadd.s32 $0xFFFFFFFF  }
0xb6: {  	_ =	strace $0x90000048  }
0xb7: {  	_ =	sfence  }
0xb8: {  	s30 =	sld [smem:$0x0];
	_ =	sdelay $0x2  }
0xb9: {  	s31 =	sshll.u32 s1, $0xD;
	s1 =	sshrl.u32 s1, $0x2  }
0xba: {  	s3 =	sand.u32 $0x4000, s31;
	s1 =	sadd.s32 s1, s30  }
0xbb: {  	s0 =	sor.u32 s3, s0;
	s1 =	sshll.u32 s1, $0x11  }
0xbc: {  	s0 =	sor.u32 s1, s0  }
0xbd: {  	s0 =	sadd.s32 $0x8F2B, s0  }
0xbe: {  	[sflag:s0] =	ssyncadd.remote.s32 $0x1  }
0xbf: {  	_ =	sfence.sel $0xFFFF  }
0xc0: {  	[dreg:$0x0] =	wrdreg $0xFFFFFFFF;
	(pc) =	sbr.abs _section_cstart, $3  }
0xc1: {  	[dreg:$0x1] =	wrdreg $0xFFFFFFFF  }
0xc2: {  	_ =	task.clear_ibuf [dreg:s7], $0x2FFFF;
	_ =	strace $0x9FFFFFFF  }
0xc3: {  	(tm) =	ssettm $0x7FFFFFFF  }
tec
execute0_lowered:
.L_overlay_start_1:
0x0: {  	(tag) =	ssettag $0x1  }
0x1: {  	s0 =	rddreg [dreg:$0x0]  }
0x2: {  	s1 =	srdreg.scid;
	s11 =	stileid.u32  }
0x3: {  	s3 =	rddreg [dreg:$0x2];
	s4 =	simm.s32 $0x0;
	s16 =	simm.s32 $0x7  }
0x4: {  	s18 =	simm.s32 $0x400;
	s19 =	simm.s32 $0x1;
	s20 =	simm.s32 $0x40  }
0x5: {  	s21 =	simm.s32 $0x800;
	s28 =	simm.s32 $0x600;
	s29 =	simm.s32 $0x2  }
0x6: {  	s30 =	simm.s32 $0x4800;
	s12 =	simm.s32 $0x500;
	s15 =	simm.s32 $0x680  }
0x7: {  	s17 =	simm.s32 $0x780;
	s31 =	simm.s32 $0x0;
	s5 =	smul.u32 $0x14000, s11  }
0x8: {  	s1 =	sand.u32 $0x1, s1;
	[smem:$0x7FF] =	sst s4;
	s22 =	smul.u32 $0x50000, s11  }
0x9: {  	s6 =	sadd.s32 $0x1C00, s0;
	s10 =	smul.u32 $0x50, s11;
	s23 =	sshll.u32 s11, $0x6  }
0xa: {  	s2 =	smul.u32 $0x140000, s1;
	_ =	strace $0x80000047;
	s7 =	ssub.s32 $0x2, s1  }
0xb: {  	s8 =	sshll.u32 s1, $0x4;
	s1 =	smul.u32 $0x500, s1;
	s25 =	sor.u32 $0x1C07, s23  }
0xc: {  	s23 =	simm.s32 $0x2800;
	s9 =	sshrl.u32 s7, $0x1;
	s8 =	sor.u32 s11, s8  }
0xd: {  	s11 =	simm.s32 $0x480;
	[dreg:$0x4] =	wrdreg s25;
	s2 =	sadd.s32 s5, s2  }
0xe: {  	s5 =	sadd.s32 $0x29C00, s0;
	s7 =	ssub.s32 s7, s9;
	s8 =	smul.u32 $0x1400, s8  }
0xf: {  	s1 =	sadd.s32 s10, s1;
	s9 =	simm.s32 $0x3;
	s2 =	sshrl.u32 s2, $0x3  }
0x10: {  	s1 =	sshll.u32 s1, $0x6;
	s26 =	smax.u32 s7, $0x1;
	s7 =	simm.s32 $0x580  }
0x11: {  	s0 =	sadd.s32 s2, s0;
	s2 =	sshrl.u32 s22, $0x2;
	s8 =	sadd.s32 s6, s8  }
0x12: {  	s10 =	sadd.s32 s1, s6;
	[dreg:$0x9] =	wrdreg s26;
	s1 =	simm.s32 $0x6800  }
0x13: {  	s6 =	simm.s32 $0x4;
	s22 =	simm.s32 $0x700;
	s2 =	sadd.s32 s2, s3  }
.Ltmp0:
0x14: {  	s24 =	sadd.s32 $0x40, s8;
	[dreg:$0x5] =	wrdreg s8;
	(pc) =	sbr.rel .LBB2_1-.Ltmp0, $4  }
0x15: {  	s8 =	sadd.s32 $0x80, s8;
	s0 =	sadd.s32 $0x51C00, s0;
	[dreg:$0x6] =	wrdreg s24  }
0x16: {  	s13 =	sadd.s32 $0x180, s10;
	s14 =	sadd.s32 $0x100, s10;
	[dreg:$0x7] =	wrdreg s8  }
0x17: {  	[dreg:$0x8] =	wrdreg s0;
	s26 =	sshrl.u32 s2, $0x3;
	s24 =	simm.s32 $0x5  }
0x18: {  	s0 =	simm.s32 $0x6;
	s8 =	simm.s32 $0x380;
	[dreg:$0xa] =	wrdreg s26  }
.LBB2_4:
0x19: {  	[bflag:$0x0] =	sbarrier.arrive $0xFFFF  }
0x1a: {  	s25 =	rddreg [dreg:$0x4]  }
0x1b: {  	s2 =	rddreg [dreg:$0x8]  }
0x1c: {  	s26 =	rddreg [dreg:$0xa]  }
0x1d: {  	[hbm:s2], [sflag:s25] =	dma.local [spmem:s26], $0x2800  }
0x1e: {  	_ =	swait.ge [sflag:s16], $0x2800  }
0x1f: {  	s31 =	rddreg [dreg:$0xb]  }
0x20: {  	s2 =	rddreg [dreg:$0x9];
	s31 =	sadd.s32 $0x1, s31  }
0x21: {  	p0 =	sne.s32 s31, s2  }
.Ltmp1:
0x22: {  	_ = 	snop;
	(pc) =	sbr.rel @!p0 .LBB2_5-.Ltmp1, $3  }
0x23: {  	_ =	sdelay $0x1  }
0x24: {  	[sflag:s16] =	ssyncset.done $0x0  }
0x25: {  	[sflag:s16] =	ssyncadd.s32 $0xFFFFD800  }
.LBB2_1:
0x26: {  	[dreg:$0xb] =	wrdreg s31  }
0x27: {  	s2 =	rddreg [dreg:$0x1]  }
0x28: {  	[spmem:s26], [sflag:s25] =	dma.local [hbm:s2], $0x2800  }
0x29: {  	_ =	swait.ge [sflag:s16], $0x2800  }
0x2a: {  	[sflag:s16] =	ssyncset.done $0x0  }
0x2b: {  	[sflag:s16] =	ssyncadd.s32 $0xFFFFD800  }
0x2c: {  	[bflag:$0x0] =	sbarrier.arrive $0xFFFF  }
0x2d: {  	s25 =	rddreg [dreg:$0x5]  }
0x2e: {  	[tilespmem:s4], [sflag:$0x1] =	stream.linear.gather [hbm4b:s25+s4], $0x200, $0x38;
	[tilespmem:$0x1C800] =	vst v63  }
0x2f: {  	s31 =	simm.s32 $0x200;
	s26 =	rddreg [dreg:$0x6]  }
0x30: {  	[tilespmem:s31], [sflag:$0x2] =	stream.linear.gather [hbm4b:s26+s4], $0x200, $0x38;
	[tilespmem:$0x1C800] =	vst v63  }
0x31: {  	s26 =	rddreg [dreg:$0x7]  }
0x32: {  	[tilespmem:s18], [sflag:$0x3] =	stream.linear.gather [hbm4b:s26+s4], $0x200, $0x38;
	[tilespmem:$0x1C800] =	vst v63  }
0x33: {  	_ =	swait.ge [sflag:s19], $0x200  }
0x34: {  	[sflag:s19] =	ssyncset.done $0x0  }
0x35: {  	[sflag:s19] =	ssyncadd.s32 $0xFFFFFE00  }
0x36: {  	[tilespmem:s21], [sflag:$0x5] =	stream.indirect.gather [hbm4b:s5+s20], $0x80, s4, s20, $0xb8;
	[tilespmem:$0x1C800] =	vst v63  }
0x37: {  	s25 =	simm.s32 $0x0;
	s31 =	simm.s32 $0x80  }
0x38: {  	[tilespmem:s23], [sflag:$0x5] =	stream.indirect.gather [hbm4b:s5+s20], $0x80, s31, s20, $0xb8;
	[tilespmem:$0x1C800] =	vst v63  }
.LBB2_2:
0x39: {  	_ =	swait.ge [sflag:s24], $0x2000  }
0x3a: {  	[sflag:s24] =	ssyncset.done $0x0  }
0x3b: {  	[sflag:s24] =	ssyncadd.s32 $0xFFFFE000  }
0x3c: {  	_ =	swait.ge [sflag:s24], $0x2000  }
0x3d: {  	[sflag:s24] =	ssyncset.done $0x0  }
0x3e: {  	s2 =	simm.s32 $0x100;
	[sflag:s24] =	ssyncadd.s32 $0xFFFFE000  }
0x3f: {  	[spmem:s3] =	stream.indirect.scatter.add.f32 [tilespmem:s21], [sflag:$0x7], $0x80, s2, s20, $0xb8;
	[tilespmem:$0x1C800] =	vst v63  }
0x40: {  	_ =	swait.ge [sflag:s16], $0x2000  }
0x41: {  	[sflag:s16] =	ssyncset.done $0x0  }
0x42: {  	s26 =	simm.s32 $0x180;
	[sflag:s16] =	ssyncadd.s32 $0xFFFFE000  }
0x43: {  	[spmem:s3] =	stream.indirect.scatter.add.f32 [tilespmem:s23], [sflag:$0x7], $0x80, s26, s20, $0xb8;
	[tilespmem:$0x1C800] =	vst v63  }
0x44: {  	_ =	swait.ge [sflag:s16], $0x2000  }
0x45: {  	s26 =	sadd.s32 s25, s10;
	[sflag:s16] =	ssyncset.done $0x0  }
0x46: {  	s26 =	sadd.s32 $0xC0, s26;
	[sflag:s16] =	ssyncadd.s32 $0xFFFFE000  }
0x47: {  	[tilespmem:s28], [sflag:$0x4] =	stream.linear.gather [hbm4b:s26+s4], $0x200, $0x38;
	[tilespmem:$0x1C800] =	vst v63  }
0x48: {  	_ =	swait.ge [sflag:s29], $0x200  }
0x49: {  	[sflag:s29] =	ssyncset.done $0x0  }
0x4a: {  	s31 =	simm.s32 $0x200;
	[sflag:s29] =	ssyncadd.s32 $0xFFFFFE00  }
0x4b: {  	[tilespmem:s30], [sflag:$0x6] =	stream.indirect.gather [hbm4b:s5+s20], $0x80, s31, s20, $0xb8;
	[tilespmem:$0x1C800] =	vst v63  }
0x4c: {  	s26 =	simm.s32 $0x280  }
0x4d: {  	[tilespmem:s1], [sflag:$0x6] =	stream.indirect.gather [hbm4b:s5+s20], $0x80, s26, s20, $0xb8;
	[tilespmem:$0x1C800] =	vst v63  }
0x4e: {  	_ =	swait.ge [sflag:s0], $0x2000  }
0x4f: {  	[sflag:s0] =	ssyncset.done $0x0  }
0x50: {  	[sflag:s0] =	ssyncadd.s32 $0xFFFFE000  }
0x51: {  	_ =	swait.ge [sflag:s0], $0x2000  }
0x52: {  	[sflag:s0] =	ssyncset.done $0x0  }
0x53: {  	s31 =	simm.s32 $0x300;
	[sflag:s0] =	ssyncadd.s32 $0xFFFFE000  }
0x54: {  	[spmem:s3] =	stream.indirect.scatter.add.f32 [tilespmem:s30], [sflag:$0x7], $0x80, s31, s20, $0xb8;
	[tilespmem:$0x1C800] =	vst v63  }
0x55: {  	_ =	swait.ge [sflag:s16], $0x2000  }
0x56: {  	[sflag:s16] =	ssyncset.done $0x0  }
0x57: {  	[sflag:s16] =	ssyncadd.s32 $0xFFFFE000  }
0x58: {  	[spmem:s3] =	stream.indirect.scatter.add.f32 [tilespmem:s1], [sflag:$0x7], $0x80, s8, s20, $0xb8;
	[tilespmem:$0x1C800] =	vst v63  }
0x59: {  	_ =	swait.ge [sflag:s16], $0x2000  }
0x5a: {  	p0 =	seq.s32 s25, $0x1300;
	[sflag:s16] =	ssyncset.done $0x0  }
0x5b: {  	s26 =	sadd.s32 @!p0 s25, s14;
	s31 =	simm.s32 @!p0 $0x0;
	[sflag:s16] =	ssyncadd.s32 $0xFFFFE000  }
0x5c: {  	[tilespmem:s31], [sflag:$0x1] =	stream.linear.gather @!p0 [hbm4b:s26+s31], $0x200, $0x38;
	[tilespmem:$0x1C800] =	vst v63  }
0x5d: {  	_ =	swait.ge [sflag:s9], $0x200  }
0x5e: {  	[sflag:s9] =	ssyncset.done $0x0  }
0x5f: {  	[sflag:s9] =	ssyncadd.s32 $0xFFFFFE00  }
0x60: {  	[tilespmem:s21], [sflag:$0x5] =	stream.indirect.gather [hbm4b:s5+s20], $0x80, s18, s20, $0xb8;
	[tilespmem:$0x1C800] =	vst v63  }
0x61: {  	_ = 	snop  }
0x62: {  	[tilespmem:s23], [sflag:$0x5] =	stream.indirect.gather [hbm4b:s5+s20], $0x80, s11, s20, $0xb8;
	[tilespmem:$0x1C800] =	vst v63  }
0x63: {  	_ =	swait.ge [sflag:s24], $0x2000  }
0x64: {  	[sflag:s24] =	ssyncset.done $0x0  }
0x65: {  	[sflag:s24] =	ssyncadd.s32 $0xFFFFE000  }
0x66: {  	_ =	swait.ge [sflag:s24], $0x2000  }
0x67: {  	[sflag:s24] =	ssyncset.done $0x0  }
0x68: {  	[sflag:s24] =	ssyncadd.s32 $0xFFFFE000  }
0x69: {  	[spmem:s3] =	stream.indirect.scatter.add.f32 [tilespmem:s21], [sflag:$0x7], $0x80, s12, s20, $0xb8;
	[tilespmem:$0x1C800] =	vst v63  }
0x6a: {  	_ =	swait.ge [sflag:s16], $0x2000  }
0x6b: {  	[sflag:s16] =	ssyncset.done $0x0  }
0x6c: {  	[sflag:s16] =	ssyncadd.s32 $0xFFFFE000  }
0x6d: {  	[spmem:s3] =	stream.indirect.scatter.add.f32 [tilespmem:s23], [sflag:$0x7], $0x80, s7, s20, $0xb8;
	[tilespmem:$0x1C800] =	vst v63  }
0x6e: {  	_ =	swait.ge [sflag:s16], $0x2000  }
0x6f: {  	s26 =	sadd.s32 @!p0 s25, s10;
	[sflag:s16] =	ssyncset.done $0x0  }
0x70: {  	s2 =	simm.s32 @!p0 $0x200;
	s26 =	sadd.s32 @!p0 $0x140, s26;
	[sflag:s16] =	ssyncadd.s32 $0xFFFFE000  }
0x71: {  	[tilespmem:s2], [sflag:$0x2] =	stream.linear.gather @!p0 [hbm4b:s26+s31], $0x200, $0x38;
	[tilespmem:$0x1C800] =	vst v63  }
0x72: {  	_ =	swait.ge [sflag:s6], $0x200  }
0x73: {  	[sflag:s6] =	ssyncset.done $0x0  }
0x74: {  	[sflag:s6] =	ssyncadd.s32 $0xFFFFFE00  }
0x75: {  	[tilespmem:s30], [sflag:$0x6] =	stream.indirect.gather [hbm4b:s5+s20], $0x80, s28, s20, $0xb8;
	[tilespmem:$0x1C800] =	vst v63  }
0x76: {  	_ = 	snop  }
0x77: {  	[tilespmem:s1], [sflag:$0x6] =	stream.indirect.gather [hbm4b:s5+s20], $0x80, s15, s20, $0xb8;
	[tilespmem:$0x1C800] =	vst v63  }
0x78: {  	_ =	swait.ge [sflag:s0], $0x2000  }
0x79: {  	[sflag:s0] =	ssyncset.done $0x0  }
0x7a: {  	[sflag:s0] =	ssyncadd.s32 $0xFFFFE000  }
0x7b: {  	_ =	swait.ge [sflag:s0], $0x2000  }
0x7c: {  	[sflag:s0] =	ssyncset.done $0x0  }
0x7d: {  	[sflag:s0] =	ssyncadd.s32 $0xFFFFE000  }
0x7e: {  	[spmem:s3] =	stream.indirect.scatter.add.f32 [tilespmem:s30], [sflag:$0x7], $0x80, s22, s20, $0xb8;
	[tilespmem:$0x1C800] =	vst v63  }
0x7f: {  	_ =	swait.ge [sflag:s16], $0x2000  }
0x80: {  	[sflag:s16] =	ssyncset.done $0x0  }
.Ltmp2:
0x81: {  	[sflag:s16] =	ssyncadd.s32 $0xFFFFE000;
	(pc) =	sbr.rel @p0 .LBB2_4-.Ltmp2, $4  }
0x82: {  	[spmem:s3] =	stream.indirect.scatter.add.f32 [tilespmem:s1], [sflag:$0x7], $0x80, s17, s20, $0xb8;
	[tilespmem:$0x1C800] =	vst v63  }
0x83: {  	_ =	swait.ge [sflag:s16], $0x2000  }
0x84: {  	[sflag:s16] =	ssyncset.done $0x0  }
0x85: {  	[sflag:s16] =	ssyncadd.s32 $0xFFFFE000  }
0x86: {  	s2 =	sadd.s32 s25, s13  }
0x87: {  	[tilespmem:s18], [sflag:$0x3] =	stream.linear.gather [hbm4b:s2+s4], $0x200, $0x38;
	[tilespmem:$0x1C800] =	vst v63  }
0x88: {  	_ =	swait.ge [sflag:s19], $0x200  }
.Ltmp3:
0x89: {  	[sflag:s19] =	ssyncset.done $0x0;
	(pc) =	sbr.rel .LBB2_2-.Ltmp3, $4  }
0x8a: {  	[sflag:s19] =	ssyncadd.s32 $0xFFFFFE00  }
0x8b: {  	[tilespmem:s21], [sflag:$0x5] =	stream.indirect.gather [hbm4b:s5+s20], $0x80, s4, s20, $0xb8;
	[tilespmem:$0x1C800] =	vst v63  }
0x8c: {  	s31 =	simm.s32 $0x80;
	s25 =	sadd.s32 $0x100, s25  }
0x8d: {  	[tilespmem:s23], [sflag:$0x5] =	stream.indirect.gather [hbm4b:s5+s20], $0x80, s31, s20, $0xb8;
	[tilespmem:$0x1C800] =	vst v63  }
.LBB2_5:
0x8e: {  	_ =	sfence.sel $0x180000  }
0x8f: {  	[bflag:$0x0] =	sbarrier.arrive $0xFFFF  }
0x90: {  	_ =	strace $0x90000047  }
0x91: {  	s0 =	stileid.u32;
	[bflag:$0x2] =	sbarrier.arrive $0xFFFF  }
0x92: {  	p0 =	sne.s32 s0, $0x0;
	s0 =	rddreg [dreg:$0x3]  }
0x93: {  	s0 =	sadd.s32 @!p0 $0x100000, s0  }
0x94: {  	[sflag:s0] =	ssyncadd.tile.s32 @!p0 $0x1;
	_ =	shalt  }
.Lfunc_end2:
_tile_overlayer_lowered:
.L_overlay_start_2:
0x95: {  	(tag) =	ssettag $0x2  }
0x96: {  	s0 =	rddreg [dreg:$0x0];
	s2 =	stileid.u32  }
0x97: {  	s1 =	rddreg [dreg:$0x1];
	p0 =	sne.s32 s2, $0x0  }
0x98: {  	s3 =	rddreg [dreg:$0x2];
	[bflag:$0x3] =	sbarrier.arrive $0xFFFF;
	s2 =	simm.s32 @!p0 $0x1C07  }
0x99: {  	[timem:s3], [sflag:s2] =	dma.local @!p0 [hbm:s0], s1  }
0x9a: {  	s0 =	simm.s32 @!p0 $0x7  }
0x9b: {  	_ =	swait.ge @!p0 [sflag:s0], s1  }
0x9c: {  	s1 =	ssub.s32 @!p0 $0x0, s1;
	[sflag:s0] =	ssyncset.done @!p0 $0x0  }
0x9d: {  	[sflag:s0] =	ssyncadd.s32 @!p0 s1  }
0x9e: {  	[bflag:$0x3] =	sbarrier.arrive $0xFFFF  }
0x9f: {  	_ =	shalt  }

</sc_bundles>
